<compile_context>
chip_gen: v7x
topology: tpu7x:2x2x1
jax: 0.10.2.dev20260603
libtpu: 0.0.44.dev20260713+nightly
codegen_flags: <defaults>
</compile_context>

<pallas_src>
import functools

import jax
import jax.numpy as jnp
from jax import lax
from jax.experimental import pallas as pl
from jax.experimental.pallas import tpu as pltpu
from jax.experimental.pallas import tpu_sc as plsc

_N = 320000
_D = 128
_C = 1000
_CPAD = 1024
_NC = 2
_NS = 16
_NW = _NC * _NS
_RPT = _N // _NW
_CHUNK = 80
_NCHUNK = _RPT // _CHUNK
_CROWS = _CPAD // _NS


def _phase1_body(x_hbm, lbl_hbm, zrow_hbm, ones_hbm,
                 psum_hbm, psq_hbm, pcnt_hbm,
                 acc_sum, acc_sq, acc_cnt,
                 xb0, xb1, sq0, sq1, lb0, lb1, obuf, zbuf,
                 sx0, sx1, sl0, sl1):
    cid = lax.axis_index("c")
    sid = lax.axis_index("s")
    wid = sid * _NC + cid

    pltpu.sync_copy(zrow_hbm.at[pl.ds(0, _CROWS)], zbuf)
    pltpu.sync_copy(ones_hbm, obuf)
    pltpu.sync_copy(zbuf, acc_sum.at[pl.ds(sid * _CROWS, _CROWS)])
    pltpu.sync_copy(zbuf, acc_sq.at[pl.ds(sid * _CROWS, _CROWS)])
    pltpu.sync_copy(zbuf, acc_cnt.at[pl.ds(sid * _CROWS, _CROWS)])
    plsc.subcore_barrier()

    row_base = wid * _RPT
    bufs = ((xb0, sq0, lb0, sx0, sl0), (xb1, sq1, lb1, sx1, sl1))

    def start_fetch(g, xb, lb, sx, sl):
        base = row_base + g * _CHUNK
        pltpu.async_copy(x_hbm.at[pl.ds(base, _CHUNK)], xb, sx)
        pltpu.async_copy(lbl_hbm.at[pl.ds(base, _CHUNK)], lb, sl)

    def process(g, xb, sq, lb, sx, sl):
        pltpu.make_async_copy(
            x_hbm.at[pl.ds(row_base, _CHUNK)], xb, sx).wait()
        pltpu.make_async_copy(
            lbl_hbm.at[pl.ds(row_base, _CHUNK)], lb, sl).wait()

        def row_body(r, _):
            for cgrp in range(_D // 16):
                v = xb[r, pl.ds(cgrp * 16, 16)]
                sq[r, pl.ds(cgrp * 16, 16)] = v * v
            return 0

        lax.fori_loop(0, _CHUNK, row_body, 0)

        pltpu.sync_copy(xb, acc_sum.at[lb], add=True)
        pltpu.sync_copy(sq, acc_sq.at[lb], add=True)
        pltpu.sync_copy(obuf, acc_cnt.at[lb], add=True)

    start_fetch(0, xb0, lb0, sx0, sl0)
    start_fetch(1, xb1, lb1, sx1, sl1)

    def pair_body(i, _):
        for b in range(2):
            xb, sq, lb, sx, sl = bufs[b]
            g = 2 * i + b
            process(g, xb, sq, lb, sx, sl)

            @pl.when(g + 2 < _NCHUNK)
            def _():
                start_fetch(g + 2, xb, lb, sx, sl)
        return 0

    lax.fori_loop(0, (_NCHUNK - 1) // 2, pair_body, 0)
    process(_NCHUNK - 1, xb0, sq0, lb0, sx0, sl0)
    plsc.subcore_barrier()

    rows = pl.ds(sid * _CROWS, _CROWS)
    pltpu.sync_copy(acc_sum.at[rows], zbuf)
    pltpu.sync_copy(zbuf, psum_hbm.at[cid, rows])
    pltpu.sync_copy(acc_sq.at[rows], zbuf)
    pltpu.sync_copy(zbuf, psq_hbm.at[cid, rows])
    pltpu.sync_copy(acc_cnt.at[rows], zbuf)
    pltpu.sync_copy(zbuf, pcnt_hbm.at[cid, rows])


def _phase1(x, labels, zrow, ones):
    mesh = plsc.VectorSubcoreMesh(core_axis_name="c", subcore_axis_name="s")
    f32 = jnp.float32
    kern = functools.partial(
        pl.kernel,
        mesh=mesh,
        out_type=[
            jax.ShapeDtypeStruct((_NC, _CPAD, _D), f32),
            jax.ShapeDtypeStruct((_NC, _CPAD, _D), f32),
            jax.ShapeDtypeStruct((_NC, _CPAD, _D), f32),
        ],
        scratch_types=[
            pltpu.VMEM_SHARED((_CPAD, _D), f32),
            pltpu.VMEM_SHARED((_CPAD, _D), f32),
            pltpu.VMEM_SHARED((_CPAD, _D), f32),
            pltpu.VMEM((_CHUNK, _D), f32),
            pltpu.VMEM((_CHUNK, _D), f32),
            pltpu.VMEM((_CHUNK, _D), f32),
            pltpu.VMEM((_CHUNK, _D), f32),
            pltpu.VMEM((_CHUNK,), jnp.int32),
            pltpu.VMEM((_CHUNK,), jnp.int32),
            pltpu.VMEM((_CHUNK, _D), f32),
            pltpu.VMEM((_CROWS, _D), f32),
            pltpu.SemaphoreType.DMA,
            pltpu.SemaphoreType.DMA,
            pltpu.SemaphoreType.DMA,
            pltpu.SemaphoreType.DMA,
        ],
    )(_phase1_body)
    return kern(x, labels, zrow, ones)


def _phase2_body(ps_ref, pq_ref, pc_ref, rm_ref, rv_ref, cc_ref,
                 mean_ref, var_ref, cnt_ref):
    s = ps_ref[0, : _C, :] + ps_ref[1, : _C, :]
    q = pq_ref[0, : _C, :] + pq_ref[1, : _C, :]
    counts = jnp.broadcast_to(
        pc_ref[0, : _C, 0:1] + pc_ref[1, : _C, 0:1], (_C, _D))
    cc = cc_ref[...]
    rm = rm_ref[...]
    rv = rv_ref[...]
    total = cc + counts
    denom = jnp.maximum(total, 1.0)
    new_mean = (rm * cc + s) / denom
    m2 = q - 2.0 * new_mean * s + counts * new_mean * new_mean
    new_var = (rv * cc + m2) / denom
    mean_ref[...] = new_mean
    var_ref[...] = new_var
    cnt_ref[...] = (cc + counts).astype(jnp.int32)


def _phase2(ps, pq, pc, rm, rv, ccb):
    f32 = jnp.float32
    return pl.pallas_call(
        _phase2_body,
        out_shape=[
            jax.ShapeDtypeStruct((_C, _D), f32),
            jax.ShapeDtypeStruct((_C, _D), f32),
            jax.ShapeDtypeStruct((_C, _D), jnp.int32),
        ],
    )(ps, pq, pc, rm, rv, ccb)


def kernel(x, labels, running_mean, running_var, class_count):
    labels_i = labels.astype(jnp.int32)
    zrow = jnp.zeros((_CPAD, _D), jnp.float32)
    ones = jnp.ones((_CHUNK, _D), jnp.float32)
    ps, pq, pc = _phase1(x, labels_i, zrow, ones)
    ccb = jnp.broadcast_to(class_count.astype(jnp.float32), (_C, _D))
    new_mean, new_var, cnt_full = _phase2(ps, pq, pc, running_mean,
                                          running_var, ccb)
    return new_mean, new_var, cnt_full[:, :1]

# --- scband reference (transcript-rebuilt; emitter-appended) ---
"""Pipeline reference for scband-stats-hook-61160334295173 (READ-ONLY COPY).

The authoritative reference and input builder live on the scoring server;
editing this copy changes nothing except your own understanding.
"""

import jax, jax.numpy as jnp
import numpy as np

N = 320000
D = 128
C = 1000

def setup_inputs(seed: int = 0) -> dict:
    key = jax.random.key(seed)
    k1, k2, k3, k4, k5 = jax.random.split(key, 5)
    x = jax.random.normal(k1, (N, D), dtype=jnp.float32)
    labels = jax.random.randint(k2, (N,), 0, C)
    running_mean = jax.random.normal(k3, (C, D), dtype=jnp.float32)
    running_var = jax.random.uniform(k4, (C, D), dtype=jnp.float32)
    class_count = jax.random.randint(k5, (C, 1), 0, 100)
    return {"x": x, "labels": labels, "running_mean": running_mean,
            "running_var": running_var, "class_count": class_count}

def reference(x, labels, running_mean, running_var, class_count):
    # Faithful jax translation of utility.cat_cond_mean_ as invoked by
    # StatsHook.hook_fn in tracking mode: class-conditional running
    # mean/variance update via scatter-add (segment reduce) over labels.
    num_classes = running_mean.shape[0]
    ones = jnp.ones((x.shape[0],), dtype=x.dtype)
    counts = jax.ops.segment_sum(ones, labels, num_segments=num_classes)[:, None]
    sum_x = jax.ops.segment_sum(x, labels, num_segments=num_classes)
    sum_x2 = jax.ops.segment_sum(x * x, labels, num_segments=num_classes)
    cc = class_count.astype(x.dtype)
    total = cc + counts
    denom = jnp.maximum(total, 1.0)
    new_mean = (running_mean * cc + sum_x) / denom
    # accumulated sum of squared deviations around the updated mean
    m2 = sum_x2 - 2.0 * new_mean * sum_x + counts * new_mean * new_mean
    new_var = (running_var * cc + m2) / denom
    new_count = class_count + counts.astype(class_count.dtype)
    return new_mean, new_var, new_count

if __name__ == "__main__":
    import jax
    _d = setup_inputs()
    print(jax.jit(kernel)(*tuple(_d.values())))

</pallas_src>

<mosaic_0001>
#map = affine_map<(d0, d1) -> (0, 0)>
#map1 = affine_map<(d0, d1) -> (0)>
#map2 = affine_map<(d0, d1) -> (0, 0, 0)>
module attributes {stable_mosaic.version = 14 : i64} {
  func.func @_phase1_body(%arg0: i32, %arg1: i32, %arg2: memref<320000x128xf32, #tpu.memory_space<hbm>>, %arg3: memref<320000xi32, #tpu.memory_space<hbm>>, %arg4: memref<1024x128xf32, #tpu.memory_space<hbm>>, %arg5: memref<80x128xf32, #tpu.memory_space<hbm>>, %arg6: memref<2x1024x128xf32, #tpu.memory_space<hbm>>, %arg7: memref<2x1024x128xf32, #tpu.memory_space<hbm>>, %arg8: memref<2x1024x128xf32, #tpu.memory_space<hbm>>, %arg9: memref<1024x128xf32, #tpu.memory_space<vmem_shared>>, %arg10: memref<1024x128xf32, #tpu.memory_space<vmem_shared>>, %arg11: memref<1024x128xf32, #tpu.memory_space<vmem_shared>>, %arg12: memref<80x128xf32, #tpu.memory_space<vmem>>, %arg13: memref<80x128xf32, #tpu.memory_space<vmem>>, %arg14: memref<80x128xf32, #tpu.memory_space<vmem>>, %arg15: memref<80x128xf32, #tpu.memory_space<vmem>>, %arg16: memref<80xi32, #tpu.memory_space<vmem>>, %arg17: memref<80xi32, #tpu.memory_space<vmem>>, %arg18: memref<80x128xf32, #tpu.memory_space<vmem>>, %arg19: memref<64x128xf32, #tpu.memory_space<vmem>>, %arg20: memref<!tpu.dma_semaphore, #tpu.memory_space<semaphore_mem>>, %arg21: memref<!tpu.dma_semaphore, #tpu.memory_space<semaphore_mem>>, %arg22: memref<!tpu.dma_semaphore, #tpu.memory_space<semaphore_mem>>, %arg23: memref<!tpu.dma_semaphore, #tpu.memory_space<semaphore_mem>>) attributes {dimension_semantics = [#tpu.dimension_semantics<core_parallel>, #tpu.dimension_semantics<subcore_parallel>], iteration_bounds = array<i64: 2, 16>, scalar_prefetch = 0 : i64, scratch_operands = 15 : i64, tpu.core_type = #tpu.core_type<sc_vector_subcore>, window_params = [{transform_indices = #map}, {transform_indices = #map1}, {transform_indices = #map}, {transform_indices = #map}, {transform_indices = #map2}, {transform_indices = #map2}, {transform_indices = #map2}]} {
    %mul3A = arith.constant 2 : i32
    %mul3A_0 = arith.muli %arg1, %mul3A : i32
    %add3A = arith.addi %mul3A_0, %arg0 : i32
    "tpu.region"() ({
      %run_scoped3A = tpu.sem_alloc : memref<!tpu.dma_semaphore, #tpu.memory_space<semaphore_mem>>
      %dma_start3A_45 = arith.constant 0 : i32
      %dma_start3A_46 = arith.constant 0 : i32
      %dma_start3A_47 = tpu.memref_slice %arg4[%dma_start3A_45, %dma_start3A_46] : memref<1024x128xf32, #tpu.memory_space<hbm>> -> memref<64x128xf32, #tpu.memory_space<hbm>>
      %dma_start3A_48 = arith.constant 0 : i32
      %dma_start3A_49 = arith.constant 0 : i32
      %dma_start3A_50 = tpu.memref_slice %arg4[%dma_start3A_48, %dma_start3A_49] : memref<1024x128xf32, #tpu.memory_space<hbm>> -> memref<64x128xf32, #tpu.memory_space<hbm>>
      tpu.enqueue_dma source(%dma_start3A_50 : memref<64x128xf32, #tpu.memory_space<hbm>>) target(%arg19 : memref<64x128xf32, #tpu.memory_space<vmem>>) target_semaphore(%run_scoped3A : memref<!tpu.dma_semaphore, #tpu.memory_space<semaphore_mem>>)
      %dma_wait3A_51 = arith.constant 0 : i32
      %dma_wait3A_52 = arith.constant 0 : i32
      %dma_wait3A_53 = tpu.memref_slice %arg4[%dma_wait3A_51, %dma_wait3A_52] : memref<1024x128xf32, #tpu.memory_space<hbm>> -> memref<64x128xf32, #tpu.memory_space<hbm>>
      %dma_wait3A_54 = arith.constant 0 : i32
      %dma_wait3A_55 = arith.constant 0 : i32
      %dma_wait3A_56 = tpu.memref_slice %arg4[%dma_wait3A_54, %dma_wait3A_55] : memref<1024x128xf32, #tpu.memory_space<hbm>> -> memref<64x128xf32, #tpu.memory_space<hbm>>
      tpu.wait_dma2 semaphore(%run_scoped3A : memref<!tpu.dma_semaphore, #tpu.memory_space<semaphore_mem>>) src(%dma_wait3A_56 : memref<64x128xf32, #tpu.memory_space<hbm>>) dst(%arg19 : memref<64x128xf32, #tpu.memory_space<vmem>>)
      tpu.yield
    }) : () -> ()
    "tpu.region"() ({
      %run_scoped3A = tpu.sem_alloc : memref<!tpu.dma_semaphore, #tpu.memory_space<semaphore_mem>>
      tpu.enqueue_dma source(%arg5 : memref<80x128xf32, #tpu.memory_space<hbm>>) target(%arg18 : memref<80x128xf32, #tpu.memory_space<vmem>>) target_semaphore(%run_scoped3A : memref<!tpu.dma_semaphore, #tpu.memory_space<semaphore_mem>>)
      tpu.wait_dma2 semaphore(%run_scoped3A : memref<!tpu.dma_semaphore, #tpu.memory_space<semaphore_mem>>) src(%arg5 : memref<80x128xf32, #tpu.memory_space<hbm>>) dst(%arg18 : memref<80x128xf32, #tpu.memory_space<vmem>>)
      tpu.yield
    }) : () -> ()
    %mul3A_1 = arith.constant 64 : i32
    %mul3A_2 = arith.muli %arg1, %mul3A_1 : i32
    "tpu.region"() ({
      %run_scoped3A = tpu.sem_alloc : memref<!tpu.dma_semaphore, #tpu.memory_space<semaphore_mem>>
      %dma_start3A_45 = arith.constant 0 : i32
      %dma_start3A_46 = tpu.memref_slice %arg9[%mul3A_2, %dma_start3A_45] : memref<1024x128xf32, #tpu.memory_space<vmem_shared>> -> memref<64x128xf32, #tpu.memory_space<vmem_shared>>
      %dma_start3A_47 = arith.constant 0 : i32
      %dma_start3A_48 = tpu.memref_slice %arg9[%mul3A_2, %dma_start3A_47] : memref<1024x128xf32, #tpu.memory_space<vmem_shared>> -> memref<64x128xf32, #tpu.memory_space<vmem_shared>>
      tpu.enqueue_dma source(%arg19 : memref<64x128xf32, #tpu.memory_space<vmem>>) target(%dma_start3A_48 : memref<64x128xf32, #tpu.memory_space<vmem_shared>>) target_semaphore(%run_scoped3A : memref<!tpu.dma_semaphore, #tpu.memory_space<semaphore_mem>>)
      %dma_wait3A_49 = arith.constant 0 : i32
      %dma_wait3A_50 = tpu.memref_slice %arg9[%mul3A_2, %dma_wait3A_49] : memref<1024x128xf32, #tpu.memory_space<vmem_shared>> -> memref<64x128xf32, #tpu.memory_space<vmem_shared>>
      %dma_wait3A_51 = arith.constant 0 : i32
      %dma_wait3A_52 = tpu.memref_slice %arg9[%mul3A_2, %dma_wait3A_51] : memref<1024x128xf32, #tpu.memory_space<vmem_shared>> -> memref<64x128xf32, #tpu.memory_space<vmem_shared>>
      tpu.wait_dma2 semaphore(%run_scoped3A : memref<!tpu.dma_semaphore, #tpu.memory_space<semaphore_mem>>) src(%arg19 : memref<64x128xf32, #tpu.memory_space<vmem>>) dst(%dma_wait3A_52 : memref<64x128xf32, #tpu.memory_space<vmem_shared>>)
      tpu.yield
    }) : () -> ()
    %mul3A_3 = arith.constant 64 : i32
    %mul3A_4 = arith.muli %arg1, %mul3A_3 : i32
    "tpu.region"() ({
      %run_scoped3A = tpu.sem_alloc : memref<!tpu.dma_semaphore, #tpu.memory_space<semaphore_mem>>
      %dma_start3A_45 = arith.constant 0 : i32
      %dma_start3A_46 = tpu.memref_slice %arg10[%mul3A_4, %dma_start3A_45] : memref<1024x128xf32, #tpu.memory_space<vmem_shared>> -> memref<64x128xf32, #tpu.memory_space<vmem_shared>>
      %dma_start3A_47 = arith.constant 0 : i32
      %dma_start3A_48 = tpu.memref_slice %arg10[%mul3A_4, %dma_start3A_47] : memref<1024x128xf32, #tpu.memory_space<vmem_shared>> -> memref<64x128xf32, #tpu.memory_space<vmem_shared>>
      tpu.enqueue_dma source(%arg19 : memref<64x128xf32, #tpu.memory_space<vmem>>) target(%dma_start3A_48 : memref<64x128xf32, #tpu.memory_space<vmem_shared>>) target_semaphore(%run_scoped3A : memref<!tpu.dma_semaphore, #tpu.memory_space<semaphore_mem>>)
      %dma_wait3A_49 = arith.constant 0 : i32
      %dma_wait3A_50 = tpu.memref_slice %arg10[%mul3A_4, %dma_wait3A_49] : memref<1024x128xf32, #tpu.memory_space<vmem_shared>> -> memref<64x128xf32, #tpu.memory_space<vmem_shared>>
      %dma_wait3A_51 = arith.constant 0 : i32
      %dma_wait3A_52 = tpu.memref_slice %arg10[%mul3A_4, %dma_wait3A_51] : memref<1024x128xf32, #tpu.memory_space<vmem_shared>> -> memref<64x128xf32, #tpu.memory_space<vmem_shared>>
      tpu.wait_dma2 semaphore(%run_scoped3A : memref<!tpu.dma_semaphore, #tpu.memory_space<semaphore_mem>>) src(%arg19 : memref<64x128xf32, #tpu.memory_space<vmem>>) dst(%dma_wait3A_52 : memref<64x128xf32, #tpu.memory_space<vmem_shared>>)
      tpu.yield
    }) : () -> ()
    %mul3A_5 = arith.constant 64 : i32
    %mul3A_6 = arith.muli %arg1, %mul3A_5 : i32
    "tpu.region"() ({
      %run_scoped3A = tpu.sem_alloc : memref<!tpu.dma_semaphore, #tpu.memory_space<semaphore_mem>>
      %dma_start3A_45 = arith.constant 0 : i32
      %dma_start3A_46 = tpu.memref_slice %arg11[%mul3A_6, %dma_start3A_45] : memref<1024x128xf32, #tpu.memory_space<vmem_shared>> -> memref<64x128xf32, #tpu.memory_space<vmem_shared>>
      %dma_start3A_47 = arith.constant 0 : i32
      %dma_start3A_48 = tpu.memref_slice %arg11[%mul3A_6, %dma_start3A_47] : memref<1024x128xf32, #tpu.memory_space<vmem_shared>> -> memref<64x128xf32, #tpu.memory_space<vmem_shared>>
      tpu.enqueue_dma source(%arg19 : memref<64x128xf32, #tpu.memory_space<vmem>>) target(%dma_start3A_48 : memref<64x128xf32, #tpu.memory_space<vmem_shared>>) target_semaphore(%run_scoped3A : memref<!tpu.dma_semaphore, #tpu.memory_space<semaphore_mem>>)
      %dma_wait3A_49 = arith.constant 0 : i32
      %dma_wait3A_50 = tpu.memref_slice %arg11[%mul3A_6, %dma_wait3A_49] : memref<1024x128xf32, #tpu.memory_space<vmem_shared>> -> memref<64x128xf32, #tpu.memory_space<vmem_shared>>
      %dma_wait3A_51 = arith.constant 0 : i32
      %dma_wait3A_52 = tpu.memref_slice %arg11[%mul3A_6, %dma_wait3A_51] : memref<1024x128xf32, #tpu.memory_space<vmem_shared>> -> memref<64x128xf32, #tpu.memory_space<vmem_shared>>
      tpu.wait_dma2 semaphore(%run_scoped3A : memref<!tpu.dma_semaphore, #tpu.memory_space<semaphore_mem>>) src(%arg19 : memref<64x128xf32, #tpu.memory_space<vmem>>) dst(%dma_wait3A_52 : memref<64x128xf32, #tpu.memory_space<vmem_shared>>)
      tpu.yield
    }) : () -> ()
    %barrier3A = arith.constant 0 : index
    tpu.barrier barrier_id(%barrier3A)
    %mul3A_7 = arith.constant 10000 : i32
    %mul3A_8 = arith.muli %add3A, %mul3A_7 : i32
    %add3A_9 = arith.constant 0 : i32
    %add3A_10 = arith.addi %mul3A_8, %add3A_9 : i32
    %dma_start3A = arith.constant 0 : i32
    %dma_start3A_11 = tpu.memref_slice %arg2[%add3A_10, %dma_start3A] : memref<320000x128xf32, #tpu.memory_space<hbm>> -> memref<80x128xf32, #tpu.memory_space<hbm>>
    %dma_start3A_12 = arith.constant 0 : i32
    %dma_start3A_13 = tpu.memref_slice %arg2[%add3A_10, %dma_start3A_12] : memref<320000x128xf32, #tpu.memory_space<hbm>> -> memref<80x128xf32, #tpu.memory_space<hbm>>
    tpu.enqueue_dma source(%dma_start3A_13 : memref<80x128xf32, #tpu.memory_space<hbm>>) target(%arg12 : memref<80x128xf32, #tpu.memory_space<vmem>>) target_semaphore(%arg20 : memref<!tpu.dma_semaphore, #tpu.memory_space<semaphore_mem>>)
    %dma_start3A_14 = tpu.memref_slice %arg3[%add3A_10] : memref<320000xi32, #tpu.memory_space<hbm>> -> memref<80xi32, #tpu.memory_space<hbm>>
    %dma_start3A_15 = tpu.memref_slice %arg3[%add3A_10] : memref<320000xi32, #tpu.memory_space<hbm>> -> memref<80xi32, #tpu.memory_space<hbm>>
    tpu.enqueue_dma source(%dma_start3A_15 : memref<80xi32, #tpu.memory_space<hbm>>) target(%arg16 : memref<80xi32, #tpu.memory_space<vmem>>) target_semaphore(%arg22 : memref<!tpu.dma_semaphore, #tpu.memory_space<semaphore_mem>>)
    %add3A_16 = arith.constant 80 : i32
    %add3A_17 = arith.addi %mul3A_8, %add3A_16 : i32
    %dma_start3A_18 = arith.constant 0 : i32
    %dma_start3A_19 = tpu.memref_slice %arg2[%add3A_17, %dma_start3A_18] : memref<320000x128xf32, #tpu.memory_space<hbm>> -> memref<80x128xf32, #tpu.memory_space<hbm>>
    %dma_start3A_20 = arith.constant 0 : i32
    %dma_start3A_21 = tpu.memref_slice %arg2[%add3A_17, %dma_start3A_20] : memref<320000x128xf32, #tpu.memory_space<hbm>> -> memref<80x128xf32, #tpu.memory_space<hbm>>
    tpu.enqueue_dma source(%dma_start3A_21 : memref<80x128xf32, #tpu.memory_space<hbm>>) target(%arg13 : memref<80x128xf32, #tpu.memory_space<vmem>>) target_semaphore(%arg21 : memref<!tpu.dma_semaphore, #tpu.memory_space<semaphore_mem>>)
    %dma_start3A_22 = tpu.memref_slice %arg3[%add3A_17] : memref<320000xi32, #tpu.memory_space<hbm>> -> memref<80xi32, #tpu.memory_space<hbm>>
    %dma_start3A_23 = tpu.memref_slice %arg3[%add3A_17] : memref<320000xi32, #tpu.memory_space<hbm>> -> memref<80xi32, #tpu.memory_space<hbm>>
    tpu.enqueue_dma source(%dma_start3A_23 : memref<80xi32, #tpu.memory_space<hbm>>) target(%arg17 : memref<80xi32, #tpu.memory_space<vmem>>) target_semaphore(%arg23 : memref<!tpu.dma_semaphore, #tpu.memory_space<semaphore_mem>>)
    %scan3A = arith.constant 0 : i32
    %scan3A_24 = arith.constant 0 : i32
    %scan3A_25 = arith.constant 62 : i32
    %scan3A_26 = arith.addi %scan3A_24, %scan3A_25 : i32
    %scan3A_27 = arith.constant 1 : i32
    %scan3A_28 = scf.for %scan3A_45 = %scan3A_24 to %scan3A_26 step %scan3A_27 iter_args(%scan3A_46 = %scan3A) -> (i32)  : i32 {
      %mul3A_47 = arith.constant 2 : i32
      %mul3A_48 = arith.muli %mul3A_47, %scan3A_45 : i32
      %add3A_49 = arith.constant 0 : i32
      %add3A_50 = arith.addi %mul3A_48, %add3A_49 : i32
      %dma_wait3A_51 = arith.constant 0 : i32
      %dma_wait3A_52 = tpu.memref_slice %arg2[%mul3A_8, %dma_wait3A_51] : memref<320000x128xf32, #tpu.memory_space<hbm>> -> memref<80x128xf32, #tpu.memory_space<hbm>>
      %dma_wait3A_53 = arith.constant 0 : i32
      %dma_wait3A_54 = tpu.memref_slice %arg2[%mul3A_8, %dma_wait3A_53] : memref<320000x128xf32, #tpu.memory_space<hbm>> -> memref<80x128xf32, #tpu.memory_space<hbm>>
      tpu.wait_dma2 semaphore(%arg20 : memref<!tpu.dma_semaphore, #tpu.memory_space<semaphore_mem>>) src(%dma_wait3A_54 : memref<80x128xf32, #tpu.memory_space<hbm>>) dst(%arg12 : memref<80x128xf32, #tpu.memory_space<vmem>>)
      %dma_wait3A_55 = tpu.memref_slice %arg3[%mul3A_8] : memref<320000xi32, #tpu.memory_space<hbm>> -> memref<80xi32, #tpu.memory_space<hbm>>
      %dma_wait3A_56 = tpu.memref_slice %arg3[%mul3A_8] : memref<320000xi32, #tpu.memory_space<hbm>> -> memref<80xi32, #tpu.memory_space<hbm>>
      tpu.wait_dma2 semaphore(%arg22 : memref<!tpu.dma_semaphore, #tpu.memory_space<semaphore_mem>>) src(%dma_wait3A_56 : memref<80xi32, #tpu.memory_space<hbm>>) dst(%arg16 : memref<80xi32, #tpu.memory_space<vmem>>)
      %scan3A_57 = arith.constant 0 : i32
      %scan3A_58 = arith.constant 0 : i32
      %scan3A_59 = arith.constant 80 : i32
      %scan3A_60 = arith.addi %scan3A_58, %scan3A_59 : i32
      %scan3A_61 = arith.constant 1 : i32
      %scan3A_62 = scf.for %scan3A_93 = %scan3A_58 to %scan3A_60 step %scan3A_61 iter_args(%scan3A_94 = %scan3A_57) -> (i32)  : i32 {
        %get3A = arith.index_cast %scan3A_93 : i32 to index
        %get3A_95 = arith.constant 0 : index
        %get3A_96 = tpu.vector_load %arg12[%get3A, %get3A_95] {strides = array<i32>} : memref<80x128xf32, #tpu.memory_space<vmem>>, vector<1x16xf32>,
        %get3A_97 = vector.shape_cast %get3A_96 : vector<1x16xf32> to vector<16xf32>
        %mul3A_98 = arith.mulf %get3A_97, %get3A_97 : vector<16xf32>
        %swap3A = arith.index_cast %scan3A_93 : i32 to index
        %swap3A_99 = arith.constant 0 : index
        %swap3A_100 = tpu.vector_load %arg14[%swap3A, %swap3A_99] {strides = array<i32>} : memref<80x128xf32, #tpu.memory_space<vmem>>, vector<1x16xf32>,
        %swap3A_101 = vector.shape_cast %swap3A_100 : vector<1x16xf32> to vector<16xf32>
        %swap3A_102 = vector.shape_cast %mul3A_98 : vector<16xf32> to vector<1x16xf32>
        tpu.vector_store %arg14[%swap3A, %swap3A_99], %swap3A_102 {strides = array<i32>} : memref<80x128xf32, #tpu.memory_space<vmem>>, vector<1x16xf32>,
        %get3A_103 = arith.index_cast %scan3A_93 : i32 to index
        %get3A_104 = arith.constant 16 : index
        %get3A_105 = tpu.vector_load %arg12[%get3A_103, %get3A_104] {strides = array<i32>} : memref<80x128xf32, #tpu.memory_space<vmem>>, vector<1x16xf32>,
        %get3A_106 = vector.shape_cast %get3A_105 : vector<1x16xf32> to vector<16xf32>
        %mul3A_107 = arith.mulf %get3A_106, %get3A_106 : vector<16xf32>
        %swap3A_108 = arith.index_cast %scan3A_93 : i32 to index
        %swap3A_109 = arith.constant 16 : index
        %swap3A_110 = tpu.vector_load %arg14[%swap3A_108, %swap3A_109] {strides = array<i32>} : memref<80x128xf32, #tpu.memory_space<vmem>>, vector<1x16xf32>,
        %swap3A_111 = vector.shape_cast %swap3A_110 : vector<1x16xf32> to vector<16xf32>
        %swap3A_112 = vector.shape_cast %mul3A_107 : vector<16xf32> to vector<1x16xf32>
        tpu.vector_store %arg14[%swap3A_108, %swap3A_109], %swap3A_112 {strides = array<i32>} : memref<80x128xf32, #tpu.memory_space<vmem>>, vector<1x16xf32>,
        %get3A_113 = arith.index_cast %scan3A_93 : i32 to index
        %get3A_114 = arith.constant 32 : index
        %get3A_115 = tpu.vector_load %arg12[%get3A_113, %get3A_114] {strides = array<i32>} : memref<80x128xf32, #tpu.memory_space<vmem>>, vector<1x16xf32>,
        %get3A_116 = vector.shape_cast %get3A_115 : vector<1x16xf32> to vector<16xf32>
        %mul3A_117 = arith.mulf %get3A_116, %get3A_116 : vector<16xf32>
        %swap3A_118 = arith.index_cast %scan3A_93 : i32 to index
        %swap3A_119 = arith.constant 32 : index
        %swap3A_120 = tpu.vector_load %arg14[%swap3A_118, %swap3A_119] {strides = array<i32>} : memref<80x128xf32, #tpu.memory_space<vmem>>, vector<1x16xf32>,
        %swap3A_121 = vector.shape_cast %swap3A_120 : vector<1x16xf32> to vector<16xf32>
        %swap3A_122 = vector.shape_cast %mul3A_117 : vector<16xf32> to vector<1x16xf32>
        tpu.vector_store %arg14[%swap3A_118, %swap3A_119], %swap3A_122 {strides = array<i32>} : memref<80x128xf32, #tpu.memory_space<vmem>>, vector<1x16xf32>,
        %get3A_123 = arith.index_cast %scan3A_93 : i32 to index
        %get3A_124 = arith.constant 48 : index
        %get3A_125 = tpu.vector_load %arg12[%get3A_123, %get3A_124] {strides = array<i32>} : memref<80x128xf32, #tpu.memory_space<vmem>>, vector<1x16xf32>,
        %get3A_126 = vector.shape_cast %get3A_125 : vector<1x16xf32> to vector<16xf32>
        %mul3A_127 = arith.mulf %get3A_126, %get3A_126 : vector<16xf32>
        %swap3A_128 = arith.index_cast %scan3A_93 : i32 to index
        %swap3A_129 = arith.constant 48 : index
        %swap3A_130 = tpu.vector_load %arg14[%swap3A_128, %swap3A_129] {strides = array<i32>} : memref<80x128xf32, #tpu.memory_space<vmem>>, vector<1x16xf32>,
        %swap3A_131 = vector.shape_cast %swap3A_130 : vector<1x16xf32> to vector<16xf32>
        %swap3A_132 = vector.shape_cast %mul3A_127 : vector<16xf32> to vector<1x16xf32>
        tpu.vector_store %arg14[%swap3A_128, %swap3A_129], %swap3A_132 {strides = array<i32>} : memref<80x128xf32, #tpu.memory_space<vmem>>, vector<1x16xf32>,
        %get3A_133 = arith.index_cast %scan3A_93 : i32 to index
        %get3A_134 = arith.constant 64 : index
        %get3A_135 = tpu.vector_load %arg12[%get3A_133, %get3A_134] {strides = array<i32>} : memref<80x128xf32, #tpu.memory_space<vmem>>, vector<1x16xf32>,
        %get3A_136 = vector.shape_cast %get3A_135 : vector<1x16xf32> to vector<16xf32>
        %mul3A_137 = arith.mulf %get3A_136, %get3A_136 : vector<16xf32>
        %swap3A_138 = arith.index_cast %scan3A_93 : i32 to index
        %swap3A_139 = arith.constant 64 : index
        %swap3A_140 = tpu.vector_load %arg14[%swap3A_138, %swap3A_139] {strides = array<i32>} : memref<80x128xf32, #tpu.memory_space<vmem>>, vector<1x16xf32>,
        %swap3A_141 = vector.shape_cast %swap3A_140 : vector<1x16xf32> to vector<16xf32>
        %swap3A_142 = vector.shape_cast %mul3A_137 : vector<16xf32> to vector<1x16xf32>
        tpu.vector_store %arg14[%swap3A_138, %swap3A_139], %swap3A_142 {strides = array<i32>} : memref<80x128xf32, #tpu.memory_space<vmem>>, vector<1x16xf32>,
        %get3A_143 = arith.index_cast %scan3A_93 : i32 to index
        %get3A_144 = arith.constant 80 : index
        %get3A_145 = tpu.vector_load %arg12[%get3A_143, %get3A_144] {strides = array<i32>} : memref<80x128xf32, #tpu.memory_space<vmem>>, vector<1x16xf32>,
        %get3A_146 = vector.shape_cast %get3A_145 : vector<1x16xf32> to vector<16xf32>
        %mul3A_147 = arith.mulf %get3A_146, %get3A_146 : vector<16xf32>
        %swap3A_148 = arith.index_cast %scan3A_93 : i32 to index
        %swap3A_149 = arith.constant 80 : index
        %swap3A_150 = tpu.vector_load %arg14[%swap3A_148, %swap3A_149] {strides = array<i32>} : memref<80x128xf32, #tpu.memory_space<vmem>>, vector<1x16xf32>,
        %swap3A_151 = vector.shape_cast %swap3A_150 : vector<1x16xf32> to vector<16xf32>
        %swap3A_152 = vector.shape_cast %mul3A_147 : vector<16xf32> to vector<1x16xf32>
        tpu.vector_store %arg14[%swap3A_148, %swap3A_149], %swap3A_152 {strides = array<i32>} : memref<80x128xf32, #tpu.memory_space<vmem>>, vector<1x16xf32>,
        %get3A_153 = arith.index_cast %scan3A_93 : i32 to index
        %get3A_154 = arith.constant 96 : index
        %get3A_155 = tpu.vector_load %arg12[%get3A_153, %get3A_154] {strides = array<i32>} : memref<80x128xf32, #tpu.memory_space<vmem>>, vector<1x16xf32>,
        %get3A_156 = vector.shape_cast %get3A_155 : vector<1x16xf32> to vector<16xf32>
        %mul3A_157 = arith.mulf %get3A_156, %get3A_156 : vector<16xf32>
        %swap3A_158 = arith.index_cast %scan3A_93 : i32 to index
        %swap3A_159 = arith.constant 96 : index
        %swap3A_160 = tpu.vector_load %arg14[%swap3A_158, %swap3A_159] {strides = array<i32>} : memref<80x128xf32, #tpu.memory_space<vmem>>, vector<1x16xf32>,
        %swap3A_161 = vector.shape_cast %swap3A_160 : vector<1x16xf32> to vector<16xf32>
        %swap3A_162 = vector.shape_cast %mul3A_157 : vector<16xf32> to vector<1x16xf32>
        tpu.vector_store %arg14[%swap3A_158, %swap3A_159], %swap3A_162 {strides = array<i32>} : memref<80x128xf32, #tpu.memory_space<vmem>>, vector<1x16xf32>,
        %get3A_163 = arith.index_cast %scan3A_93 : i32 to index
        %get3A_164 = arith.constant 112 : index
        %get3A_165 = tpu.vector_load %arg12[%get3A_163, %get3A_164] {strides = array<i32>} : memref<80x128xf32, #tpu.memory_space<vmem>>, vector<1x16xf32>,
        %get3A_166 = vector.shape_cast %get3A_165 : vector<1x16xf32> to vector<16xf32>
        %mul3A_167 = arith.mulf %get3A_166, %get3A_166 : vector<16xf32>
        %swap3A_168 = arith.index_cast %scan3A_93 : i32 to index
        %swap3A_169 = arith.constant 112 : index
        %swap3A_170 = tpu.vector_load %arg14[%swap3A_168, %swap3A_169] {strides = array<i32>} : memref<80x128xf32, #tpu.memory_space<vmem>>, vector<1x16xf32>,
        %swap3A_171 = vector.shape_cast %swap3A_170 : vector<1x16xf32> to vector<16xf32>
        %swap3A_172 = vector.shape_cast %mul3A_167 : vector<16xf32> to vector<1x16xf32>
        tpu.vector_store %arg14[%swap3A_168, %swap3A_169], %swap3A_172 {strides = array<i32>} : memref<80x128xf32, #tpu.memory_space<vmem>>, vector<1x16xf32>,
        %scan3A_173 = arith.constant 0 : i32
        scf.yield %scan3A_173 : i32
      }
      %scan3A_63 = arith.constant 80 : i32
      "tpu.region"() ({
        %run_scoped3A = tpu.sem_alloc : memref<!tpu.dma_semaphore, #tpu.memory_space<semaphore_mem>>
        %dma_start3A_93 = arith.constant 0 : i32
        %dma_start3A_94 = arith.constant 0 : i32
        %dma_start3A_95 = tpu.memref_slice %arg9[%dma_start3A_93, %dma_start3A_94] : memref<1024x128xf32, #tpu.memory_space<vmem_shared>> -> memref<1024x128xf32, #tpu.memory_space<vmem_shared>>
        tpu.enqueue_indirect_dma source(%arg12 : memref<80x128xf32, #tpu.memory_space<vmem>>) target(%dma_start3A_95 : memref<1024x128xf32, #tpu.memory_space<vmem_shared>>) offsets(%arg16 : memref<80xi32, #tpu.memory_space<vmem>>) semaphore(%run_scoped3A : memref<!tpu.dma_semaphore, #tpu.memory_space<semaphore_mem>>) {add = true}
        %dma_wait3A_96 = arith.constant 0 : i32
        %dma_wait3A_97 = arith.constant 0 : i32
        %dma_wait3A_98 = tpu.memref_slice %arg9[%dma_wait3A_96, %dma_wait3A_97] : memref<1024x128xf32, #tpu.memory_space<vmem_shared>> -> memref<1024x128xf32, #tpu.memory_space<vmem_shared>>
        tpu.wait_indirect_dma semaphore(%run_scoped3A : memref<!tpu.dma_semaphore, #tpu.memory_space<semaphore_mem>>) src(%arg12 : memref<80x128xf32, #tpu.memory_space<vmem>>) dst(%dma_wait3A_98 : memref<1024x128xf32, #tpu.memory_space<vmem_shared>>)
        tpu.yield
      }) : () -> ()
      "tpu.region"() ({
        %run_scoped3A = tpu.sem_alloc : memref<!tpu.dma_semaphore, #tpu.memory_space<semaphore_mem>>
        %dma_start3A_93 = arith.constant 0 : i32
        %dma_start3A_94 = arith.constant 0 : i32
        %dma_start3A_95 = tpu.memref_slice %arg10[%dma_start3A_93, %dma_start3A_94] : memref<1024x128xf32, #tpu.memory_space<vmem_shared>> -> memref<1024x128xf32, #tpu.memory_space<vmem_shared>>
        tpu.enqueue_indirect_dma source(%arg14 : memref<80x128xf32, #tpu.memory_space<vmem>>) target(%dma_start3A_95 : memref<1024x128xf32, #tpu.memory_space<vmem_shared>>) offsets(%arg16 : memref<80xi32, #tpu.memory_space<vmem>>) semaphore(%run_scoped3A : memref<!tpu.dma_semaphore, #tpu.memory_space<semaphore_mem>>) {add = true}
        %dma_wait3A_96 = arith.constant 0 : i32
        %dma_wait3A_97 = arith.constant 0 : i32
        %dma_wait3A_98 = tpu.memref_slice %arg10[%dma_wait3A_96, %dma_wait3A_97] : memref<1024x128xf32, #tpu.memory_space<vmem_shared>> -> memref<1024x128xf32, #tpu.memory_space<vmem_shared>>
        tpu.wait_indirect_dma semaphore(%run_scoped3A : memref<!tpu.dma_semaphore, #tpu.memory_space<semaphore_mem>>) src(%arg14 : memref<80x128xf32, #tpu.memory_space<vmem>>) dst(%dma_wait3A_98 : memref<1024x128xf32, #tpu.memory_space<vmem_shared>>)
        tpu.yield
      }) : () -> ()
      "tpu.region"() ({
        %run_scoped3A = tpu.sem_alloc : memref<!tpu.dma_semaphore, #tpu.memory_space<semaphore_mem>>
        %dma_start3A_93 = arith.constant 0 : i32
        %dma_start3A_94 = arith.constant 0 : i32
        %dma_start3A_95 = tpu.memref_slice %arg11[%dma_start3A_93, %dma_start3A_94] : memref<1024x128xf32, #tpu.memory_space<vmem_shared>> -> memref<1024x128xf32, #tpu.memory_space<vmem_shared>>
        tpu.enqueue_indirect_dma source(%arg18 : memref<80x128xf32, #tpu.memory_space<vmem>>) target(%dma_start3A_95 : memref<1024x128xf32, #tpu.memory_space<vmem_shared>>) offsets(%arg16 : memref<80xi32, #tpu.memory_space<vmem>>) semaphore(%run_scoped3A : memref<!tpu.dma_semaphore, #tpu.memory_space<semaphore_mem>>) {add = true}
        %dma_wait3A_96 = arith.constant 0 : i32
        %dma_wait3A_97 = arith.constant 0 : i32
        %dma_wait3A_98 = tpu.memref_slice %arg11[%dma_wait3A_96, %dma_wait3A_97] : memref<1024x128xf32, #tpu.memory_space<vmem_shared>> -> memref<1024x128xf32, #tpu.memory_space<vmem_shared>>
        tpu.wait_indirect_dma semaphore(%run_scoped3A : memref<!tpu.dma_semaphore, #tpu.memory_space<semaphore_mem>>) src(%arg18 : memref<80x128xf32, #tpu.memory_space<vmem>>) dst(%dma_wait3A_98 : memref<1024x128xf32, #tpu.memory_space<vmem_shared>>)
        tpu.yield
      }) : () -> ()
      %add3A_64 = arith.constant 2 : i32
      %add3A_65 = arith.addi %add3A_50, %add3A_64 : i32
      %lt3A = arith.constant 125 : i32
      %lt3A_66 = arith.cmpi slt, %add3A_65, %lt3A : i32
      %convert_element_type3A = arith.extui %lt3A_66 : i1 to i32
      %cond3A = arith.constant 0 : i32
      %cond3A_67 = arith.cmpi ne, %convert_element_type3A, %cond3A : i32
      scf.if %cond3A_67 {
        %add3A_93 = arith.constant 2 : i32
        %add3A_94 = arith.addi %add3A_50, %add3A_93 : i32
        %mul3A_95 = arith.constant 80 : i32
        %mul3A_96 = arith.muli %add3A_94, %mul3A_95 : i32
        %add3A_97 = arith.addi %mul3A_8, %mul3A_96 : i32
        %dma_start3A_98 = arith.constant 0 : i32
        %dma_start3A_99 = tpu.memref_slice %arg2[%add3A_97, %dma_start3A_98] : memref<320000x128xf32, #tpu.memory_space<hbm>> -> memref<80x128xf32, #tpu.memory_space<hbm>>
        %dma_start3A_100 = arith.constant 0 : i32
        %dma_start3A_101 = tpu.memref_slice %arg2[%add3A_97, %dma_start3A_100] : memref<320000x128xf32, #tpu.memory_space<hbm>> -> memref<80x128xf32, #tpu.memory_space<hbm>>
        tpu.enqueue_dma source(%dma_start3A_101 : memref<80x128xf32, #tpu.memory_space<hbm>>) target(%arg12 : memref<80x128xf32, #tpu.memory_space<vmem>>) target_semaphore(%arg20 : memref<!tpu.dma_semaphore, #tpu.memory_space<semaphore_mem>>)
        %dma_start3A_102 = tpu.memref_slice %arg3[%add3A_97] : memref<320000xi32, #tpu.memory_space<hbm>> -> memref<80xi32, #tpu.memory_space<hbm>>
        %dma_start3A_103 = tpu.memref_slice %arg3[%add3A_97] : memref<320000xi32, #tpu.memory_space<hbm>> -> memref<80xi32, #tpu.memory_space<hbm>>
        tpu.enqueue_dma source(%dma_start3A_103 : memref<80xi32, #tpu.memory_space<hbm>>) target(%arg16 : memref<80xi32, #tpu.memory_space<vmem>>) target_semaphore(%arg22 : memref<!tpu.dma_semaphore, #tpu.memory_space<semaphore_mem>>)
      } else {
      }
      %mul3A_68 = arith.constant 2 : i32
      %mul3A_69 = arith.muli %mul3A_68, %scan3A_45 : i32
      %add3A_70 = arith.constant 1 : i32
      %add3A_71 = arith.addi %mul3A_69, %add3A_70 : i32
      %dma_wait3A_72 = arith.constant 0 : i32
      %dma_wait3A_73 = tpu.memref_slice %arg2[%mul3A_8, %dma_wait3A_72] : memref<320000x128xf32, #tpu.memory_space<hbm>> -> memref<80x128xf32, #tpu.memory_space<hbm>>
      %dma_wait3A_74 = arith.constant 0 : i32
      %dma_wait3A_75 = tpu.memref_slice %arg2[%mul3A_8, %dma_wait3A_74] : memref<320000x128xf32, #tpu.memory_space<hbm>> -> memref<80x128xf32, #tpu.memory_space<hbm>>
      tpu.wait_dma2 semaphore(%arg21 : memref<!tpu.dma_semaphore, #tpu.memory_space<semaphore_mem>>) src(%dma_wait3A_75 : memref<80x128xf32, #tpu.memory_space<hbm>>) dst(%arg13 : memref<80x128xf32, #tpu.memory_space<vmem>>)
      %dma_wait3A_76 = tpu.memref_slice %arg3[%mul3A_8] : memref<320000xi32, #tpu.memory_space<hbm>> -> memref<80xi32, #tpu.memory_space<hbm>>
      %dma_wait3A_77 = tpu.memref_slice %arg3[%mul3A_8] : memref<320000xi32, #tpu.memory_space<hbm>> -> memref<80xi32, #tpu.memory_space<hbm>>
      tpu.wait_dma2 semaphore(%arg23 : memref<!tpu.dma_semaphore, #tpu.memory_space<semaphore_mem>>) src(%dma_wait3A_77 : memref<80xi32, #tpu.memory_space<hbm>>) dst(%arg17 : memref<80xi32, #tpu.memory_space<vmem>>)
      %scan3A_78 = arith.constant 0 : i32
      %scan3A_79 = arith.constant 0 : i32
      %scan3A_80 = arith.constant 80 : i32
      %scan3A_81 = arith.addi %scan3A_79, %scan3A_80 : i32
      %scan3A_82 = arith.constant 1 : i32
      %scan3A_83 = scf.for %scan3A_93 = %scan3A_79 to %scan3A_81 step %scan3A_82 iter_args(%scan3A_94 = %scan3A_78) -> (i32)  : i32 {
        %get3A = arith.index_cast %scan3A_93 : i32 to index
        %get3A_95 = arith.constant 0 : index
        %get3A_96 = tpu.vector_load %arg13[%get3A, %get3A_95] {strides = array<i32>} : memref<80x128xf32, #tpu.memory_space<vmem>>, vector<1x16xf32>,
        %get3A_97 = vector.shape_cast %get3A_96 : vector<1x16xf32> to vector<16xf32>
        %mul3A_98 = arith.mulf %get3A_97, %get3A_97 : vector<16xf32>
        %swap3A = arith.index_cast %scan3A_93 : i32 to index
        %swap3A_99 = arith.constant 0 : index
        %swap3A_100 = tpu.vector_load %arg15[%swap3A, %swap3A_99] {strides = array<i32>} : memref<80x128xf32, #tpu.memory_space<vmem>>, vector<1x16xf32>,
        %swap3A_101 = vector.shape_cast %swap3A_100 : vector<1x16xf32> to vector<16xf32>
        %swap3A_102 = vector.shape_cast %mul3A_98 : vector<16xf32> to vector<1x16xf32>
        tpu.vector_store %arg15[%swap3A, %swap3A_99], %swap3A_102 {strides = array<i32>} : memref<80x128xf32, #tpu.memory_space<vmem>>, vector<1x16xf32>,
        %get3A_103 = arith.index_cast %scan3A_93 : i32 to index
        %get3A_104 = arith.constant 16 : index
        %get3A_105 = tpu.vector_load %arg13[%get3A_103, %get3A_104] {strides = array<i32>} : memref<80x128xf32, #tpu.memory_space<vmem>>, vector<1x16xf32>,
        %get3A_106 = vector.shape_cast %get3A_105 : vector<1x16xf32> to vector<16xf32>
        %mul3A_107 = arith.mulf %get3A_106, %get3A_106 : vector<16xf32>
        %swap3A_108 = arith.index_cast %scan3A_93 : i32 to index
        %swap3A_109 = arith.constant 16 : index
        %swap3A_110 = tpu.vector_load %arg15[%swap3A_108, %swap3A_109] {strides = array<i32>} : memref<80x128xf32, #tpu.memory_space<vmem>>, vector<1x16xf32>,
        %swap3A_111 = vector.shape_cast %swap3A_110 : vector<1x16xf32> to vector<16xf32>
        %swap3A_112 = vector.shape_cast %mul3A_107 : vector<16xf32> to vector<1x16xf32>
        tpu.vector_store %arg15[%swap3A_108, %swap3A_109], %swap3A_112 {strides = array<i32>} : memref<80x128xf32, #tpu.memory_space<vmem>>, vector<1x16xf32>,
        %get3A_113 = arith.index_cast %scan3A_93 : i32 to index
        %get3A_114 = arith.constant 32 : index
        %get3A_115 = tpu.vector_load %arg13[%get3A_113, %get3A_114] {strides = array<i32>} : memref<80x128xf32, #tpu.memory_space<vmem>>, vector<1x16xf32>,
        %get3A_116 = vector.shape_cast %get3A_115 : vector<1x16xf32> to vector<16xf32>
        %mul3A_117 = arith.mulf %get3A_116, %get3A_116 : vector<16xf32>
        %swap3A_118 = arith.index_cast %scan3A_93 : i32 to index
        %swap3A_119 = arith.constant 32 : index
        %swap3A_120 = tpu.vector_load %arg15[%swap3A_118, %swap3A_119] {strides = array<i32>} : memref<80x128xf32, #tpu.memory_space<vmem>>, vector<1x16xf32>,
        %swap3A_121 = vector.shape_cast %swap3A_120 : vector<1x16xf32> to vector<16xf32>
        %swap3A_122 = vector.shape_cast %mul3A_117 : vector<16xf32> to vector<1x16xf32>
        tpu.vector_store %arg15[%swap3A_118, %swap3A_119], %swap3A_122 {strides = array<i32>} : memref<80x128xf32, #tpu.memory_space<vmem>>, vector<1x16xf32>,
        %get3A_123 = arith.index_cast %scan3A_93 : i32 to index
        %get3A_124 = arith.constant 48 : index
        %get3A_125 = tpu.vector_load %arg13[%get3A_123, %get3A_124] {strides = array<i32>} : memref<80x128xf32, #tpu.memory_space<vmem>>, vector<1x16xf32>,
        %get3A_126 = vector.shape_cast %get3A_125 : vector<1x16xf32> to vector<16xf32>
        %mul3A_127 = arith.mulf %get3A_126, %get3A_126 : vector<16xf32>
        %swap3A_128 = arith.index_cast %scan3A_93 : i32 to index
        %swap3A_129 = arith.constant 48 : index
        %swap3A_130 = tpu.vector_load %arg15[%swap3A_128, %swap3A_129] {strides = array<i32>} : memref<80x128xf32, #tpu.memory_space<vmem>>, vector<1x16xf32>,
        %swap3A_131 = vector.shape_cast %swap3A_130 : vector<1x16xf32> to vector<16xf32>
        %swap3A_132 = vector.shape_cast %mul3A_127 : vector<16xf32> to vector<1x16xf32>
        tpu.vector_store %arg15[%swap3A_128, %swap3A_129], %swap3A_132 {strides = array<i32>} : memref<80x128xf32, #tpu.memory_space<vmem>>, vector<1x16xf32>,
        %get3A_133 = arith.index_cast %scan3A_93 : i32 to index
        %get3A_134 = arith.constant 64 : index
        %get3A_135 = tpu.vector_load %arg13[%get3A_133, %get3A_134] {strides = array<i32>} : memref<80x128xf32, #tpu.memory_space<vmem>>, vector<1x16xf32>,
        %get3A_136 = vector.shape_cast %get3A_135 : vector<1x16xf32> to vector<16xf32>
        %mul3A_137 = arith.mulf %get3A_136, %get3A_136 : vector<16xf32>
        %swap3A_138 = arith.index_cast %scan3A_93 : i32 to index
        %swap3A_139 = arith.constant 64 : index
        %swap3A_140 = tpu.vector_load %arg15[%swap3A_138, %swap3A_139] {strides = array<i32>} : memref<80x128xf32, #tpu.memory_space<vmem>>, vector<1x16xf32>,
        %swap3A_141 = vector.shape_cast %swap3A_140 : vector<1x16xf32> to vector<16xf32>
        %swap3A_142 = vector.shape_cast %mul3A_137 : vector<16xf32> to vector<1x16xf32>
        tpu.vector_store %arg15[%swap3A_138, %swap3A_139], %swap3A_142 {strides = array<i32>} : memref<80x128xf32, #tpu.memory_space<vmem>>, vector<1x16xf32>,
        %get3A_143 = arith.index_cast %scan3A_93 : i32 to index
        %get3A_144 = arith.constant 80 : index
        %get3A_145 = tpu.vector_load %arg13[%get3A_143, %get3A_144] {strides = array<i32>} : memref<80x128xf32, #tpu.memory_space<vmem>>, vector<1x16xf32>,
        %get3A_146 = vector.shape_cast %get3A_145 : vector<1x16xf32> to vector<16xf32>
        %mul3A_147 = arith.mulf %get3A_146, %get3A_146 : vector<16xf32>
        %swap3A_148 = arith.index_cast %scan3A_93 : i32 to index
        %swap3A_149 = arith.constant 80 : index
        %swap3A_150 = tpu.vector_load %arg15[%swap3A_148, %swap3A_149] {strides = array<i32>} : memref<80x128xf32, #tpu.memory_space<vmem>>, vector<1x16xf32>,
        %swap3A_151 = vector.shape_cast %swap3A_150 : vector<1x16xf32> to vector<16xf32>
        %swap3A_152 = vector.shape_cast %mul3A_147 : vector<16xf32> to vector<1x16xf32>
        tpu.vector_store %arg15[%swap3A_148, %swap3A_149], %swap3A_152 {strides = array<i32>} : memref<80x128xf32, #tpu.memory_space<vmem>>, vector<1x16xf32>,
        %get3A_153 = arith.index_cast %scan3A_93 : i32 to index
        %get3A_154 = arith.constant 96 : index
        %get3A_155 = tpu.vector_load %arg13[%get3A_153, %get3A_154] {strides = array<i32>} : memref<80x128xf32, #tpu.memory_space<vmem>>, vector<1x16xf32>,
        %get3A_156 = vector.shape_cast %get3A_155 : vector<1x16xf32> to vector<16xf32>
        %mul3A_157 = arith.mulf %get3A_156, %get3A_156 : vector<16xf32>
        %swap3A_158 = arith.index_cast %scan3A_93 : i32 to index
        %swap3A_159 = arith.constant 96 : index
        %swap3A_160 = tpu.vector_load %arg15[%swap3A_158, %swap3A_159] {strides = array<i32>} : memref<80x128xf32, #tpu.memory_space<vmem>>, vector<1x16xf32>,
        %swap3A_161 = vector.shape_cast %swap3A_160 : vector<1x16xf32> to vector<16xf32>
        %swap3A_162 = vector.shape_cast %mul3A_157 : vector<16xf32> to vector<1x16xf32>
        tpu.vector_store %arg15[%swap3A_158, %swap3A_159], %swap3A_162 {strides = array<i32>} : memref<80x128xf32, #tpu.memory_space<vmem>>, vector<1x16xf32>,
        %get3A_163 = arith.index_cast %scan3A_93 : i32 to index
        %get3A_164 = arith.constant 112 : index
        %get3A_165 = tpu.vector_load %arg13[%get3A_163, %get3A_164] {strides = array<i32>} : memref<80x128xf32, #tpu.memory_space<vmem>>, vector<1x16xf32>,
        %get3A_166 = vector.shape_cast %get3A_165 : vector<1x16xf32> to vector<16xf32>
        %mul3A_167 = arith.mulf %get3A_166, %get3A_166 : vector<16xf32>
        %swap3A_168 = arith.index_cast %scan3A_93 : i32 to index
        %swap3A_169 = arith.constant 112 : index
        %swap3A_170 = tpu.vector_load %arg15[%swap3A_168, %swap3A_169] {strides = array<i32>} : memref<80x128xf32, #tpu.memory_space<vmem>>, vector<1x16xf32>,
        %swap3A_171 = vector.shape_cast %swap3A_170 : vector<1x16xf32> to vector<16xf32>
        %swap3A_172 = vector.shape_cast %mul3A_167 : vector<16xf32> to vector<1x16xf32>
        tpu.vector_store %arg15[%swap3A_168, %swap3A_169], %swap3A_172 {strides = array<i32>} : memref<80x128xf32, #tpu.memory_space<vmem>>, vector<1x16xf32>,
        %scan3A_173 = arith.constant 0 : i32
        scf.yield %scan3A_173 : i32
      }
      %scan3A_84 = arith.constant 80 : i32
      "tpu.region"() ({
        %run_scoped3A = tpu.sem_alloc : memref<!tpu.dma_semaphore, #tpu.memory_space<semaphore_mem>>
        %dma_start3A_93 = arith.constant 0 : i32
        %dma_start3A_94 = arith.constant 0 : i32
        %dma_start3A_95 = tpu.memref_slice %arg9[%dma_start3A_93, %dma_start3A_94] : memref<1024x128xf32, #tpu.memory_space<vmem_shared>> -> memref<1024x128xf32, #tpu.memory_space<vmem_shared>>
        tpu.enqueue_indirect_dma source(%arg13 : memref<80x128xf32, #tpu.memory_space<vmem>>) target(%dma_start3A_95 : memref<1024x128xf32, #tpu.memory_space<vmem_shared>>) offsets(%arg17 : memref<80xi32, #tpu.memory_space<vmem>>) semaphore(%run_scoped3A : memref<!tpu.dma_semaphore, #tpu.memory_space<semaphore_mem>>) {add = true}
        %dma_wait3A_96 = arith.constant 0 : i32
        %dma_wait3A_97 = arith.constant 0 : i32
        %dma_wait3A_98 = tpu.memref_slice %arg9[%dma_wait3A_96, %dma_wait3A_97] : memref<1024x128xf32, #tpu.memory_space<vmem_shared>> -> memref<1024x128xf32, #tpu.memory_space<vmem_shared>>
        tpu.wait_indirect_dma semaphore(%run_scoped3A : memref<!tpu.dma_semaphore, #tpu.memory_space<semaphore_mem>>) src(%arg13 : memref<80x128xf32, #tpu.memory_space<vmem>>) dst(%dma_wait3A_98 : memref<1024x128xf32, #tpu.memory_space<vmem_shared>>)
        tpu.yield
      }) : () -> ()
      "tpu.region"() ({
        %run_scoped3A = tpu.sem_alloc : memref<!tpu.dma_semaphore, #tpu.memory_space<semaphore_mem>>
        %dma_start3A_93 = arith.constant 0 : i32
        %dma_start3A_94 = arith.constant 0 : i32
        %dma_start3A_95 = tpu.memref_slice %arg10[%dma_start3A_93, %dma_start3A_94] : memref<1024x128xf32, #tpu.memory_space<vmem_shared>> -> memref<1024x128xf32, #tpu.memory_space<vmem_shared>>
        tpu.enqueue_indirect_dma source(%arg15 : memref<80x128xf32, #tpu.memory_space<vmem>>) target(%dma_start3A_95 : memref<1024x128xf32, #tpu.memory_space<vmem_shared>>) offsets(%arg17 : memref<80xi32, #tpu.memory_space<vmem>>) semaphore(%run_scoped3A : memref<!tpu.dma_semaphore, #tpu.memory_space<semaphore_mem>>) {add = true}
        %dma_wait3A_96 = arith.constant 0 : i32
        %dma_wait3A_97 = arith.constant 0 : i32
        %dma_wait3A_98 = tpu.memref_slice %arg10[%dma_wait3A_96, %dma_wait3A_97] : memref<1024x128xf32, #tpu.memory_space<vmem_shared>> -> memref<1024x128xf32, #tpu.memory_space<vmem_shared>>
        tpu.wait_indirect_dma semaphore(%run_scoped3A : memref<!tpu.dma_semaphore, #tpu.memory_space<semaphore_mem>>) src(%arg15 : memref<80x128xf32, #tpu.memory_space<vmem>>) dst(%dma_wait3A_98 : memref<1024x128xf32, #tpu.memory_space<vmem_shared>>)
        tpu.yield
      }) : () -> ()
      "tpu.region"() ({
        %run_scoped3A = tpu.sem_alloc : memref<!tpu.dma_semaphore, #tpu.memory_space<semaphore_mem>>
        %dma_start3A_93 = arith.constant 0 : i32
        %dma_start3A_94 = arith.constant 0 : i32
        %dma_start3A_95 = tpu.memref_slice %arg11[%dma_start3A_93, %dma_start3A_94] : memref<1024x128xf32, #tpu.memory_space<vmem_shared>> -> memref<1024x128xf32, #tpu.memory_space<vmem_shared>>
        tpu.enqueue_indirect_dma source(%arg18 : memref<80x128xf32, #tpu.memory_space<vmem>>) target(%dma_start3A_95 : memref<1024x128xf32, #tpu.memory_space<vmem_shared>>) offsets(%arg17 : memref<80xi32, #tpu.memory_space<vmem>>) semaphore(%run_scoped3A : memref<!tpu.dma_semaphore, #tpu.memory_space<semaphore_mem>>) {add = true}
        %dma_wait3A_96 = arith.constant 0 : i32
        %dma_wait3A_97 = arith.constant 0 : i32
        %dma_wait3A_98 = tpu.memref_slice %arg11[%dma_wait3A_96, %dma_wait3A_97] : memref<1024x128xf32, #tpu.memory_space<vmem_shared>> -> memref<1024x128xf32, #tpu.memory_space<vmem_shared>>
        tpu.wait_indirect_dma semaphore(%run_scoped3A : memref<!tpu.dma_semaphore, #tpu.memory_space<semaphore_mem>>) src(%arg18 : memref<80x128xf32, #tpu.memory_space<vmem>>) dst(%dma_wait3A_98 : memref<1024x128xf32, #tpu.memory_space<vmem_shared>>)
        tpu.yield
      }) : () -> ()
      %add3A_85 = arith.constant 2 : i32
      %add3A_86 = arith.addi %add3A_71, %add3A_85 : i32
      %lt3A_87 = arith.constant 125 : i32
      %lt3A_88 = arith.cmpi slt, %add3A_86, %lt3A_87 : i32
      %convert_element_type3A_89 = arith.extui %lt3A_88 : i1 to i32
      %cond3A_90 = arith.constant 0 : i32
      %cond3A_91 = arith.cmpi ne, %convert_element_type3A_89, %cond3A_90 : i32
      scf.if %cond3A_91 {
        %add3A_93 = arith.constant 2 : i32
        %add3A_94 = arith.addi %add3A_71, %add3A_93 : i32
        %mul3A_95 = arith.constant 80 : i32
        %mul3A_96 = arith.muli %add3A_94, %mul3A_95 : i32
        %add3A_97 = arith.addi %mul3A_8, %mul3A_96 : i32
        %dma_start3A_98 = arith.constant 0 : i32
        %dma_start3A_99 = tpu.memref_slice %arg2[%add3A_97, %dma_start3A_98] : memref<320000x128xf32, #tpu.memory_space<hbm>> -> memref<80x128xf32, #tpu.memory_space<hbm>>
        %dma_start3A_100 = arith.constant 0 : i32
        %dma_start3A_101 = tpu.memref_slice %arg2[%add3A_97, %dma_start3A_100] : memref<320000x128xf32, #tpu.memory_space<hbm>> -> memref<80x128xf32, #tpu.memory_space<hbm>>
        tpu.enqueue_dma source(%dma_start3A_101 : memref<80x128xf32, #tpu.memory_space<hbm>>) target(%arg13 : memref<80x128xf32, #tpu.memory_space<vmem>>) target_semaphore(%arg21 : memref<!tpu.dma_semaphore, #tpu.memory_space<semaphore_mem>>)
        %dma_start3A_102 = tpu.memref_slice %arg3[%add3A_97] : memref<320000xi32, #tpu.memory_space<hbm>> -> memref<80xi32, #tpu.memory_space<hbm>>
        %dma_start3A_103 = tpu.memref_slice %arg3[%add3A_97] : memref<320000xi32, #tpu.memory_space<hbm>> -> memref<80xi32, #tpu.memory_space<hbm>>
        tpu.enqueue_dma source(%dma_start3A_103 : memref<80xi32, #tpu.memory_space<hbm>>) target(%arg17 : memref<80xi32, #tpu.memory_space<vmem>>) target_semaphore(%arg23 : memref<!tpu.dma_semaphore, #tpu.memory_space<semaphore_mem>>)
      } else {
      }
      %scan3A_92 = arith.constant 0 : i32
      scf.yield %scan3A_92 : i32
    }
    %scan3A_29 = arith.constant 62 : i32
    %dma_wait3A = arith.constant 0 : i32
    %dma_wait3A_30 = tpu.memref_slice %arg2[%mul3A_8, %dma_wait3A] : memref<320000x128xf32, #tpu.memory_space<hbm>> -> memref<80x128xf32, #tpu.memory_space<hbm>>
    %dma_wait3A_31 = arith.constant 0 : i32
    %dma_wait3A_32 = tpu.memref_slice %arg2[%mul3A_8, %dma_wait3A_31] : memref<320000x128xf32, #tpu.memory_space<hbm>> -> memref<80x128xf32, #tpu.memory_space<hbm>>
    tpu.wait_dma2 semaphore(%arg20 : memref<!tpu.dma_semaphore, #tpu.memory_space<semaphore_mem>>) src(%dma_wait3A_32 : memref<80x128xf32, #tpu.memory_space<hbm>>) dst(%arg12 : memref<80x128xf32, #tpu.memory_space<vmem>>)
    %dma_wait3A_33 = tpu.memref_slice %arg3[%mul3A_8] : memref<320000xi32, #tpu.memory_space<hbm>> -> memref<80xi32, #tpu.memory_space<hbm>>
    %dma_wait3A_34 = tpu.memref_slice %arg3[%mul3A_8] : memref<320000xi32, #tpu.memory_space<hbm>> -> memref<80xi32, #tpu.memory_space<hbm>>
    tpu.wait_dma2 semaphore(%arg22 : memref<!tpu.dma_semaphore, #tpu.memory_space<semaphore_mem>>) src(%dma_wait3A_34 : memref<80xi32, #tpu.memory_space<hbm>>) dst(%arg16 : memref<80xi32, #tpu.memory_space<vmem>>)
    %scan3A_35 = arith.constant 0 : i32
    %scan3A_36 = arith.constant 0 : i32
    %scan3A_37 = arith.constant 80 : i32
    %scan3A_38 = arith.addi %scan3A_36, %scan3A_37 : i32
    %scan3A_39 = arith.constant 1 : i32
    %scan3A_40 = scf.for %scan3A_45 = %scan3A_36 to %scan3A_38 step %scan3A_39 iter_args(%scan3A_46 = %scan3A_35) -> (i32)  : i32 {
      %get3A = arith.index_cast %scan3A_45 : i32 to index
      %get3A_47 = arith.constant 0 : index
      %get3A_48 = tpu.vector_load %arg12[%get3A, %get3A_47] {strides = array<i32>} : memref<80x128xf32, #tpu.memory_space<vmem>>, vector<1x16xf32>,
      %get3A_49 = vector.shape_cast %get3A_48 : vector<1x16xf32> to vector<16xf32>
      %mul3A_50 = arith.mulf %get3A_49, %get3A_49 : vector<16xf32>
      %swap3A = arith.index_cast %scan3A_45 : i32 to index
      %swap3A_51 = arith.constant 0 : index
      %swap3A_52 = tpu.vector_load %arg14[%swap3A, %swap3A_51] {strides = array<i32>} : memref<80x128xf32, #tpu.memory_space<vmem>>, vector<1x16xf32>,
      %swap3A_53 = vector.shape_cast %swap3A_52 : vector<1x16xf32> to vector<16xf32>
      %swap3A_54 = vector.shape_cast %mul3A_50 : vector<16xf32> to vector<1x16xf32>
      tpu.vector_store %arg14[%swap3A, %swap3A_51], %swap3A_54 {strides = array<i32>} : memref<80x128xf32, #tpu.memory_space<vmem>>, vector<1x16xf32>,
      %get3A_55 = arith.index_cast %scan3A_45 : i32 to index
      %get3A_56 = arith.constant 16 : index
      %get3A_57 = tpu.vector_load %arg12[%get3A_55, %get3A_56] {strides = array<i32>} : memref<80x128xf32, #tpu.memory_space<vmem>>, vector<1x16xf32>,
      %get3A_58 = vector.shape_cast %get3A_57 : vector<1x16xf32> to vector<16xf32>
      %mul3A_59 = arith.mulf %get3A_58, %get3A_58 : vector<16xf32>
      %swap3A_60 = arith.index_cast %scan3A_45 : i32 to index
      %swap3A_61 = arith.constant 16 : index
      %swap3A_62 = tpu.vector_load %arg14[%swap3A_60, %swap3A_61] {strides = array<i32>} : memref<80x128xf32, #tpu.memory_space<vmem>>, vector<1x16xf32>,
      %swap3A_63 = vector.shape_cast %swap3A_62 : vector<1x16xf32> to vector<16xf32>
      %swap3A_64 = vector.shape_cast %mul3A_59 : vector<16xf32> to vector<1x16xf32>
      tpu.vector_store %arg14[%swap3A_60, %swap3A_61], %swap3A_64 {strides = array<i32>} : memref<80x128xf32, #tpu.memory_space<vmem>>, vector<1x16xf32>,
      %get3A_65 = arith.index_cast %scan3A_45 : i32 to index
      %get3A_66 = arith.constant 32 : index
      %get3A_67 = tpu.vector_load %arg12[%get3A_65, %get3A_66] {strides = array<i32>} : memref<80x128xf32, #tpu.memory_space<vmem>>, vector<1x16xf32>,
      %get3A_68 = vector.shape_cast %get3A_67 : vector<1x16xf32> to vector<16xf32>
      %mul3A_69 = arith.mulf %get3A_68, %get3A_68 : vector<16xf32>
      %swap3A_70 = arith.index_cast %scan3A_45 : i32 to index
      %swap3A_71 = arith.constant 32 : index
      %swap3A_72 = tpu.vector_load %arg14[%swap3A_70, %swap3A_71] {strides = array<i32>} : memref<80x128xf32, #tpu.memory_space<vmem>>, vector<1x16xf32>,
      %swap3A_73 = vector.shape_cast %swap3A_72 : vector<1x16xf32> to vector<16xf32>
      %swap3A_74 = vector.shape_cast %mul3A_69 : vector<16xf32> to vector<1x16xf32>
      tpu.vector_store %arg14[%swap3A_70, %swap3A_71], %swap3A_74 {strides = array<i32>} : memref<80x128xf32, #tpu.memory_space<vmem>>, vector<1x16xf32>,
      %get3A_75 = arith.index_cast %scan3A_45 : i32 to index
      %get3A_76 = arith.constant 48 : index
      %get3A_77 = tpu.vector_load %arg12[%get3A_75, %get3A_76] {strides = array<i32>} : memref<80x128xf32, #tpu.memory_space<vmem>>, vector<1x16xf32>,
      %get3A_78 = vector.shape_cast %get3A_77 : vector<1x16xf32> to vector<16xf32>
      %mul3A_79 = arith.mulf %get3A_78, %get3A_78 : vector<16xf32>
      %swap3A_80 = arith.index_cast %scan3A_45 : i32 to index
      %swap3A_81 = arith.constant 48 : index
      %swap3A_82 = tpu.vector_load %arg14[%swap3A_80, %swap3A_81] {strides = array<i32>} : memref<80x128xf32, #tpu.memory_space<vmem>>, vector<1x16xf32>,
      %swap3A_83 = vector.shape_cast %swap3A_82 : vector<1x16xf32> to vector<16xf32>
      %swap3A_84 = vector.shape_cast %mul3A_79 : vector<16xf32> to vector<1x16xf32>
      tpu.vector_store %arg14[%swap3A_80, %swap3A_81], %swap3A_84 {strides = array<i32>} : memref<80x128xf32, #tpu.memory_space<vmem>>, vector<1x16xf32>,
      %get3A_85 = arith.index_cast %scan3A_45 : i32 to index
      %get3A_86 = arith.constant 64 : index
      %get3A_87 = tpu.vector_load %arg12[%get3A_85, %get3A_86] {strides = array<i32>} : memref<80x128xf32, #tpu.memory_space<vmem>>, vector<1x16xf32>,
      %get3A_88 = vector.shape_cast %get3A_87 : vector<1x16xf32> to vector<16xf32>
      %mul3A_89 = arith.mulf %get3A_88, %get3A_88 : vector<16xf32>
      %swap3A_90 = arith.index_cast %scan3A_45 : i32 to index
      %swap3A_91 = arith.constant 64 : index
      %swap3A_92 = tpu.vector_load %arg14[%swap3A_90, %swap3A_91] {strides = array<i32>} : memref<80x128xf32, #tpu.memory_space<vmem>>, vector<1x16xf32>,
      %swap3A_93 = vector.shape_cast %swap3A_92 : vector<1x16xf32> to vector<16xf32>
      %swap3A_94 = vector.shape_cast %mul3A_89 : vector<16xf32> to vector<1x16xf32>
      tpu.vector_store %arg14[%swap3A_90, %swap3A_91], %swap3A_94 {strides = array<i32>} : memref<80x128xf32, #tpu.memory_space<vmem>>, vector<1x16xf32>,
      %get3A_95 = arith.index_cast %scan3A_45 : i32 to index
      %get3A_96 = arith.constant 80 : index
      %get3A_97 = tpu.vector_load %arg12[%get3A_95, %get3A_96] {strides = array<i32>} : memref<80x128xf32, #tpu.memory_space<vmem>>, vector<1x16xf32>,
      %get3A_98 = vector.shape_cast %get3A_97 : vector<1x16xf32> to vector<16xf32>
      %mul3A_99 = arith.mulf %get3A_98, %get3A_98 : vector<16xf32>
      %swap3A_100 = arith.index_cast %scan3A_45 : i32 to index
      %swap3A_101 = arith.constant 80 : index
      %swap3A_102 = tpu.vector_load %arg14[%swap3A_100, %swap3A_101] {strides = array<i32>} : memref<80x128xf32, #tpu.memory_space<vmem>>, vector<1x16xf32>,
      %swap3A_103 = vector.shape_cast %swap3A_102 : vector<1x16xf32> to vector<16xf32>
      %swap3A_104 = vector.shape_cast %mul3A_99 : vector<16xf32> to vector<1x16xf32>
      tpu.vector_store %arg14[%swap3A_100, %swap3A_101], %swap3A_104 {strides = array<i32>} : memref<80x128xf32, #tpu.memory_space<vmem>>, vector<1x16xf32>,
      %get3A_105 = arith.index_cast %scan3A_45 : i32 to index
      %get3A_106 = arith.constant 96 : index
      %get3A_107 = tpu.vector_load %arg12[%get3A_105, %get3A_106] {strides = array<i32>} : memref<80x128xf32, #tpu.memory_space<vmem>>, vector<1x16xf32>,
      %get3A_108 = vector.shape_cast %get3A_107 : vector<1x16xf32> to vector<16xf32>
      %mul3A_109 = arith.mulf %get3A_108, %get3A_108 : vector<16xf32>
      %swap3A_110 = arith.index_cast %scan3A_45 : i32 to index
      %swap3A_111 = arith.constant 96 : index
      %swap3A_112 = tpu.vector_load %arg14[%swap3A_110, %swap3A_111] {strides = array<i32>} : memref<80x128xf32, #tpu.memory_space<vmem>>, vector<1x16xf32>,
      %swap3A_113 = vector.shape_cast %swap3A_112 : vector<1x16xf32> to vector<16xf32>
      %swap3A_114 = vector.shape_cast %mul3A_109 : vector<16xf32> to vector<1x16xf32>
      tpu.vector_store %arg14[%swap3A_110, %swap3A_111], %swap3A_114 {strides = array<i32>} : memref<80x128xf32, #tpu.memory_space<vmem>>, vector<1x16xf32>,
      %get3A_115 = arith.index_cast %scan3A_45 : i32 to index
      %get3A_116 = arith.constant 112 : index
      %get3A_117 = tpu.vector_load %arg12[%get3A_115, %get3A_116] {strides = array<i32>} : memref<80x128xf32, #tpu.memory_space<vmem>>, vector<1x16xf32>,
      %get3A_118 = vector.shape_cast %get3A_117 : vector<1x16xf32> to vector<16xf32>
      %mul3A_119 = arith.mulf %get3A_118, %get3A_118 : vector<16xf32>
      %swap3A_120 = arith.index_cast %scan3A_45 : i32 to index
      %swap3A_121 = arith.constant 112 : index
      %swap3A_122 = tpu.vector_load %arg14[%swap3A_120, %swap3A_121] {strides = array<i32>} : memref<80x128xf32, #tpu.memory_space<vmem>>, vector<1x16xf32>,
      %swap3A_123 = vector.shape_cast %swap3A_122 : vector<1x16xf32> to vector<16xf32>
      %swap3A_124 = vector.shape_cast %mul3A_119 : vector<16xf32> to vector<1x16xf32>
      tpu.vector_store %arg14[%swap3A_120, %swap3A_121], %swap3A_124 {strides = array<i32>} : memref<80x128xf32, #tpu.memory_space<vmem>>, vector<1x16xf32>,
      %scan3A_125 = arith.constant 0 : i32
      scf.yield %scan3A_125 : i32
    }
    %scan3A_41 = arith.constant 80 : i32
    "tpu.region"() ({
      %run_scoped3A = tpu.sem_alloc : memref<!tpu.dma_semaphore, #tpu.memory_space<semaphore_mem>>
      %dma_start3A_45 = arith.constant 0 : i32
      %dma_start3A_46 = arith.constant 0 : i32
      %dma_start3A_47 = tpu.memref_slice %arg9[%dma_start3A_45, %dma_start3A_46] : memref<1024x128xf32, #tpu.memory_space<vmem_shared>> -> memref<1024x128xf32, #tpu.memory_space<vmem_shared>>
      tpu.enqueue_indirect_dma source(%arg12 : memref<80x128xf32, #tpu.memory_space<vmem>>) target(%dma_start3A_47 : memref<1024x128xf32, #tpu.memory_space<vmem_shared>>) offsets(%arg16 : memref<80xi32, #tpu.memory_space<vmem>>) semaphore(%run_scoped3A : memref<!tpu.dma_semaphore, #tpu.memory_space<semaphore_mem>>) {add = true}
      %dma_wait3A_48 = arith.constant 0 : i32
      %dma_wait3A_49 = arith.constant 0 : i32
      %dma_wait3A_50 = tpu.memref_slice %arg9[%dma_wait3A_48, %dma_wait3A_49] : memref<1024x128xf32, #tpu.memory_space<vmem_shared>> -> memref<1024x128xf32, #tpu.memory_space<vmem_shared>>
      tpu.wait_indirect_dma semaphore(%run_scoped3A : memref<!tpu.dma_semaphore, #tpu.memory_space<semaphore_mem>>) src(%arg12 : memref<80x128xf32, #tpu.memory_space<vmem>>) dst(%dma_wait3A_50 : memref<1024x128xf32, #tpu.memory_space<vmem_shared>>)
      tpu.yield
    }) : () -> ()
    "tpu.region"() ({
      %run_scoped3A = tpu.sem_alloc : memref<!tpu.dma_semaphore, #tpu.memory_space<semaphore_mem>>
      %dma_start3A_45 = arith.constant 0 : i32
      %dma_start3A_46 = arith.constant 0 : i32
      %dma_start3A_47 = tpu.memref_slice %arg10[%dma_start3A_45, %dma_start3A_46] : memref<1024x128xf32, #tpu.memory_space<vmem_shared>> -> memref<1024x128xf32, #tpu.memory_space<vmem_shared>>
      tpu.enqueue_indirect_dma source(%arg14 : memref<80x128xf32, #tpu.memory_space<vmem>>) target(%dma_start3A_47 : memref<1024x128xf32, #tpu.memory_space<vmem_shared>>) offsets(%arg16 : memref<80xi32, #tpu.memory_space<vmem>>) semaphore(%run_scoped3A : memref<!tpu.dma_semaphore, #tpu.memory_space<semaphore_mem>>) {add = true}
      %dma_wait3A_48 = arith.constant 0 : i32
      %dma_wait3A_49 = arith.constant 0 : i32
      %dma_wait3A_50 = tpu.memref_slice %arg10[%dma_wait3A_48, %dma_wait3A_49] : memref<1024x128xf32, #tpu.memory_space<vmem_shared>> -> memref<1024x128xf32, #tpu.memory_space<vmem_shared>>
      tpu.wait_indirect_dma semaphore(%run_scoped3A : memref<!tpu.dma_semaphore, #tpu.memory_space<semaphore_mem>>) src(%arg14 : memref<80x128xf32, #tpu.memory_space<vmem>>) dst(%dma_wait3A_50 : memref<1024x128xf32, #tpu.memory_space<vmem_shared>>)
      tpu.yield
    }) : () -> ()
    "tpu.region"() ({
      %run_scoped3A = tpu.sem_alloc : memref<!tpu.dma_semaphore, #tpu.memory_space<semaphore_mem>>
      %dma_start3A_45 = arith.constant 0 : i32
      %dma_start3A_46 = arith.constant 0 : i32
      %dma_start3A_47 = tpu.memref_slice %arg11[%dma_start3A_45, %dma_start3A_46] : memref<1024x128xf32, #tpu.memory_space<vmem_shared>> -> memref<1024x128xf32, #tpu.memory_space<vmem_shared>>
      tpu.enqueue_indirect_dma source(%arg18 : memref<80x128xf32, #tpu.memory_space<vmem>>) target(%dma_start3A_47 : memref<1024x128xf32, #tpu.memory_space<vmem_shared>>) offsets(%arg16 : memref<80xi32, #tpu.memory_space<vmem>>) semaphore(%run_scoped3A : memref<!tpu.dma_semaphore, #tpu.memory_space<semaphore_mem>>) {add = true}
      %dma_wait3A_48 = arith.constant 0 : i32
      %dma_wait3A_49 = arith.constant 0 : i32
      %dma_wait3A_50 = tpu.memref_slice %arg11[%dma_wait3A_48, %dma_wait3A_49] : memref<1024x128xf32, #tpu.memory_space<vmem_shared>> -> memref<1024x128xf32, #tpu.memory_space<vmem_shared>>
      tpu.wait_indirect_dma semaphore(%run_scoped3A : memref<!tpu.dma_semaphore, #tpu.memory_space<semaphore_mem>>) src(%arg18 : memref<80x128xf32, #tpu.memory_space<vmem>>) dst(%dma_wait3A_50 : memref<1024x128xf32, #tpu.memory_space<vmem_shared>>)
      tpu.yield
    }) : () -> ()
    %barrier3A_42 = arith.constant 0 : index
    tpu.barrier barrier_id(%barrier3A_42)
    %mul3A_43 = arith.constant 64 : i32
    %mul3A_44 = arith.muli %arg1, %mul3A_43 : i32
    "tpu.region"() ({
      %run_scoped3A = tpu.sem_alloc : memref<!tpu.dma_semaphore, #tpu.memory_space<semaphore_mem>>
      %dma_start3A_45 = arith.constant 0 : i32
      %dma_start3A_46 = tpu.memref_slice %arg9[%mul3A_44, %dma_start3A_45] : memref<1024x128xf32, #tpu.memory_space<vmem_shared>> -> memref<64x128xf32, #tpu.memory_space<vmem_shared>>
      %dma_start3A_47 = arith.constant 0 : i32
      %dma_start3A_48 = tpu.memref_slice %arg9[%mul3A_44, %dma_start3A_47] : memref<1024x128xf32, #tpu.memory_space<vmem_shared>> -> memref<64x128xf32, #tpu.memory_space<vmem_shared>>
      tpu.enqueue_dma source(%dma_start3A_48 : memref<64x128xf32, #tpu.memory_space<vmem_shared>>) target(%arg19 : memref<64x128xf32, #tpu.memory_space<vmem>>) target_semaphore(%run_scoped3A : memref<!tpu.dma_semaphore, #tpu.memory_space<semaphore_mem>>)
      %dma_wait3A_49 = arith.constant 0 : i32
      %dma_wait3A_50 = tpu.memref_slice %arg9[%mul3A_44, %dma_wait3A_49] : memref<1024x128xf32, #tpu.memory_space<vmem_shared>> -> memref<64x128xf32, #tpu.memory_space<vmem_shared>>
      %dma_wait3A_51 = arith.constant 0 : i32
      %dma_wait3A_52 = tpu.memref_slice %arg9[%mul3A_44, %dma_wait3A_51] : memref<1024x128xf32, #tpu.memory_space<vmem_shared>> -> memref<64x128xf32, #tpu.memory_space<vmem_shared>>
      tpu.wait_dma2 semaphore(%run_scoped3A : memref<!tpu.dma_semaphore, #tpu.memory_space<semaphore_mem>>) src(%dma_wait3A_52 : memref<64x128xf32, #tpu.memory_space<vmem_shared>>) dst(%arg19 : memref<64x128xf32, #tpu.memory_space<vmem>>)
      tpu.yield
    }) : () -> ()
    "tpu.region"() ({
      %run_scoped3A = tpu.sem_alloc : memref<!tpu.dma_semaphore, #tpu.memory_space<semaphore_mem>>
      %dma_start3A_45 = arith.constant 0 : i32
      %dma_start3A_46 = tpu.memref_slice %arg6[%arg0, %mul3A_44, %dma_start3A_45] : memref<2x1024x128xf32, #tpu.memory_space<hbm>> -> memref<1x64x128xf32, #tpu.memory_space<hbm>>
      %dma_start3A_47 = tpu.memref_squeeze %dma_start3A_46 : memref<1x64x128xf32, #tpu.memory_space<hbm>> -> memref<64x128xf32, #tpu.memory_space<hbm>>
      %dma_start3A_48 = arith.constant 0 : i32
      %dma_start3A_49 = tpu.memref_slice %arg6[%arg0, %mul3A_44, %dma_start3A_48] : memref<2x1024x128xf32, #tpu.memory_space<hbm>> -> memref<1x64x128xf32, #tpu.memory_space<hbm>>
      %dma_start3A_50 = tpu.memref_squeeze %dma_start3A_49 : memref<1x64x128xf32, #tpu.memory_space<hbm>> -> memref<64x128xf32, #tpu.memory_space<hbm>>
      tpu.enqueue_dma source(%arg19 : memref<64x128xf32, #tpu.memory_space<vmem>>) target(%dma_start3A_50 : memref<64x128xf32, #tpu.memory_space<hbm>>) target_semaphore(%run_scoped3A : memref<!tpu.dma_semaphore, #tpu.memory_space<semaphore_mem>>)
      %dma_wait3A_51 = arith.constant 0 : i32
      %dma_wait3A_52 = tpu.memref_slice %arg6[%arg0, %mul3A_44, %dma_wait3A_51] : memref<2x1024x128xf32, #tpu.memory_space<hbm>> -> memref<1x64x128xf32, #tpu.memory_space<hbm>>
      %dma_wait3A_53 = tpu.memref_squeeze %dma_wait3A_52 : memref<1x64x128xf32, #tpu.memory_space<hbm>> -> memref<64x128xf32, #tpu.memory_space<hbm>>
      %dma_wait3A_54 = arith.constant 0 : i32
      %dma_wait3A_55 = tpu.memref_slice %arg6[%arg0, %mul3A_44, %dma_wait3A_54] : memref<2x1024x128xf32, #tpu.memory_space<hbm>> -> memref<1x64x128xf32, #tpu.memory_space<hbm>>
      %dma_wait3A_56 = tpu.memref_squeeze %dma_wait3A_55 : memref<1x64x128xf32, #tpu.memory_space<hbm>> -> memref<64x128xf32, #tpu.memory_space<hbm>>
      tpu.wait_dma2 semaphore(%run_scoped3A : memref<!tpu.dma_semaphore, #tpu.memory_space<semaphore_mem>>) src(%arg19 : memref<64x128xf32, #tpu.memory_space<vmem>>) dst(%dma_wait3A_56 : memref<64x128xf32, #tpu.memory_space<hbm>>)
      tpu.yield
    }) : () -> ()
    "tpu.region"() ({
      %run_scoped3A = tpu.sem_alloc : memref<!tpu.dma_semaphore, #tpu.memory_space<semaphore_mem>>
      %dma_start3A_45 = arith.constant 0 : i32
      %dma_start3A_46 = tpu.memref_slice %arg10[%mul3A_44, %dma_start3A_45] : memref<1024x128xf32, #tpu.memory_space<vmem_shared>> -> memref<64x128xf32, #tpu.memory_space<vmem_shared>>
      %dma_start3A_47 = arith.constant 0 : i32
      %dma_start3A_48 = tpu.memref_slice %arg10[%mul3A_44, %dma_start3A_47] : memref<1024x128xf32, #tpu.memory_space<vmem_shared>> -> memref<64x128xf32, #tpu.memory_space<vmem_shared>>
      tpu.enqueue_dma source(%dma_start3A_48 : memref<64x128xf32, #tpu.memory_space<vmem_shared>>) target(%arg19 : memref<64x128xf32, #tpu.memory_space<vmem>>) target_semaphore(%run_scoped3A : memref<!tpu.dma_semaphore, #tpu.memory_space<semaphore_mem>>)
      %dma_wait3A_49 = arith.constant 0 : i32
      %dma_wait3A_50 = tpu.memref_slice %arg10[%mul3A_44, %dma_wait3A_49] : memref<1024x128xf32, #tpu.memory_space<vmem_shared>> -> memref<64x128xf32, #tpu.memory_space<vmem_shared>>
      %dma_wait3A_51 = arith.constant 0 : i32
      %dma_wait3A_52 = tpu.memref_slice %arg10[%mul3A_44, %dma_wait3A_51] : memref<1024x128xf32, #tpu.memory_space<vmem_shared>> -> memref<64x128xf32, #tpu.memory_space<vmem_shared>>
      tpu.wait_dma2 semaphore(%run_scoped3A : memref<!tpu.dma_semaphore, #tpu.memory_space<semaphore_mem>>) src(%dma_wait3A_52 : memref<64x128xf32, #tpu.memory_space<vmem_shared>>) dst(%arg19 : memref<64x128xf32, #tpu.memory_space<vmem>>)
      tpu.yield
    }) : () -> ()
    "tpu.region"() ({
      %run_scoped3A = tpu.sem_alloc : memref<!tpu.dma_semaphore, #tpu.memory_space<semaphore_mem>>
      %dma_start3A_45 = arith.constant 0 : i32
      %dma_start3A_46 = tpu.memref_slice %arg7[%arg0, %mul3A_44, %dma_start3A_45] : memref<2x1024x128xf32, #tpu.memory_space<hbm>> -> memref<1x64x128xf32, #tpu.memory_space<hbm>>
      %dma_start3A_47 = tpu.memref_squeeze %dma_start3A_46 : memref<1x64x128xf32, #tpu.memory_space<hbm>> -> memref<64x128xf32, #tpu.memory_space<hbm>>
      %dma_start3A_48 = arith.constant 0 : i32
      %dma_start3A_49 = tpu.memref_slice %arg7[%arg0, %mul3A_44, %dma_start3A_48] : memref<2x1024x128xf32, #tpu.memory_space<hbm>> -> memref<1x64x128xf32, #tpu.memory_space<hbm>>
      %dma_start3A_50 = tpu.memref_squeeze %dma_start3A_49 : memref<1x64x128xf32, #tpu.memory_space<hbm>> -> memref<64x128xf32, #tpu.memory_space<hbm>>
      tpu.enqueue_dma source(%arg19 : memref<64x128xf32, #tpu.memory_space<vmem>>) target(%dma_start3A_50 : memref<64x128xf32, #tpu.memory_space<hbm>>) target_semaphore(%run_scoped3A : memref<!tpu.dma_semaphore, #tpu.memory_space<semaphore_mem>>)
      %dma_wait3A_51 = arith.constant 0 : i32
      %dma_wait3A_52 = tpu.memref_slice %arg7[%arg0, %mul3A_44, %dma_wait3A_51] : memref<2x1024x128xf32, #tpu.memory_space<hbm>> -> memref<1x64x128xf32, #tpu.memory_space<hbm>>
      %dma_wait3A_53 = tpu.memref_squeeze %dma_wait3A_52 : memref<1x64x128xf32, #tpu.memory_space<hbm>> -> memref<64x128xf32, #tpu.memory_space<hbm>>
      %dma_wait3A_54 = arith.constant 0 : i32
      %dma_wait3A_55 = tpu.memref_slice %arg7[%arg0, %mul3A_44, %dma_wait3A_54] : memref<2x1024x128xf32, #tpu.memory_space<hbm>> -> memref<1x64x128xf32, #tpu.memory_space<hbm>>
      %dma_wait3A_56 = tpu.memref_squeeze %dma_wait3A_55 : memref<1x64x128xf32, #tpu.memory_space<hbm>> -> memref<64x128xf32, #tpu.memory_space<hbm>>
      tpu.wait_dma2 semaphore(%run_scoped3A : memref<!tpu.dma_semaphore, #tpu.memory_space<semaphore_mem>>) src(%arg19 : memref<64x128xf32, #tpu.memory_space<vmem>>) dst(%dma_wait3A_56 : memref<64x128xf32, #tpu.memory_space<hbm>>)
      tpu.yield
    }) : () -> ()
    "tpu.region"() ({
      %run_scoped3A = tpu.sem_alloc : memref<!tpu.dma_semaphore, #tpu.memory_space<semaphore_mem>>
      %dma_start3A_45 = arith.constant 0 : i32
      %dma_start3A_46 = tpu.memref_slice %arg11[%mul3A_44, %dma_start3A_45] : memref<1024x128xf32, #tpu.memory_space<vmem_shared>> -> memref<64x128xf32, #tpu.memory_space<vmem_shared>>
      %dma_start3A_47 = arith.constant 0 : i32
      %dma_start3A_48 = tpu.memref_slice %arg11[%mul3A_44, %dma_start3A_47] : memref<1024x128xf32, #tpu.memory_space<vmem_shared>> -> memref<64x128xf32, #tpu.memory_space<vmem_shared>>
      tpu.enqueue_dma source(%dma_start3A_48 : memref<64x128xf32, #tpu.memory_space<vmem_shared>>) target(%arg19 : memref<64x128xf32, #tpu.memory_space<vmem>>) target_semaphore(%run_scoped3A : memref<!tpu.dma_semaphore, #tpu.memory_space<semaphore_mem>>)
      %dma_wait3A_49 = arith.constant 0 : i32
      %dma_wait3A_50 = tpu.memref_slice %arg11[%mul3A_44, %dma_wait3A_49] : memref<1024x128xf32, #tpu.memory_space<vmem_shared>> -> memref<64x128xf32, #tpu.memory_space<vmem_shared>>
      %dma_wait3A_51 = arith.constant 0 : i32
      %dma_wait3A_52 = tpu.memref_slice %arg11[%mul3A_44, %dma_wait3A_51] : memref<1024x128xf32, #tpu.memory_space<vmem_shared>> -> memref<64x128xf32, #tpu.memory_space<vmem_shared>>
      tpu.wait_dma2 semaphore(%run_scoped3A : memref<!tpu.dma_semaphore, #tpu.memory_space<semaphore_mem>>) src(%dma_wait3A_52 : memref<64x128xf32, #tpu.memory_space<vmem_shared>>) dst(%arg19 : memref<64x128xf32, #tpu.memory_space<vmem>>)
      tpu.yield
    }) : () -> ()
    "tpu.region"() ({
      %run_scoped3A = tpu.sem_alloc : memref<!tpu.dma_semaphore, #tpu.memory_space<semaphore_mem>>
      %dma_start3A_45 = arith.constant 0 : i32
      %dma_start3A_46 = tpu.memref_slice %arg8[%arg0, %mul3A_44, %dma_start3A_45] : memref<2x1024x128xf32, #tpu.memory_space<hbm>> -> memref<1x64x128xf32, #tpu.memory_space<hbm>>
      %dma_start3A_47 = tpu.memref_squeeze %dma_start3A_46 : memref<1x64x128xf32, #tpu.memory_space<hbm>> -> memref<64x128xf32, #tpu.memory_space<hbm>>
      %dma_start3A_48 = arith.constant 0 : i32
      %dma_start3A_49 = tpu.memref_slice %arg8[%arg0, %mul3A_44, %dma_start3A_48] : memref<2x1024x128xf32, #tpu.memory_space<hbm>> -> memref<1x64x128xf32, #tpu.memory_space<hbm>>
      %dma_start3A_50 = tpu.memref_squeeze %dma_start3A_49 : memref<1x64x128xf32, #tpu.memory_space<hbm>> -> memref<64x128xf32, #tpu.memory_space<hbm>>
      tpu.enqueue_dma source(%arg19 : memref<64x128xf32, #tpu.memory_space<vmem>>) target(%dma_start3A_50 : memref<64x128xf32, #tpu.memory_space<hbm>>) target_semaphore(%run_scoped3A : memref<!tpu.dma_semaphore, #tpu.memory_space<semaphore_mem>>)
      %dma_wait3A_51 = arith.constant 0 : i32
      %dma_wait3A_52 = tpu.memref_slice %arg8[%arg0, %mul3A_44, %dma_wait3A_51] : memref<2x1024x128xf32, #tpu.memory_space<hbm>> -> memref<1x64x128xf32, #tpu.memory_space<hbm>>
      %dma_wait3A_53 = tpu.memref_squeeze %dma_wait3A_52 : memref<1x64x128xf32, #tpu.memory_space<hbm>> -> memref<64x128xf32, #tpu.memory_space<hbm>>
      %dma_wait3A_54 = arith.constant 0 : i32
      %dma_wait3A_55 = tpu.memref_slice %arg8[%arg0, %mul3A_44, %dma_wait3A_54] : memref<2x1024x128xf32, #tpu.memory_space<hbm>> -> memref<1x64x128xf32, #tpu.memory_space<hbm>>
      %dma_wait3A_56 = tpu.memref_squeeze %dma_wait3A_55 : memref<1x64x128xf32, #tpu.memory_space<hbm>> -> memref<64x128xf32, #tpu.memory_space<hbm>>
      tpu.wait_dma2 semaphore(%run_scoped3A : memref<!tpu.dma_semaphore, #tpu.memory_space<semaphore_mem>>) src(%arg19 : memref<64x128xf32, #tpu.memory_space<vmem>>) dst(%dma_wait3A_56 : memref<64x128xf32, #tpu.memory_space<hbm>>)
      tpu.yield
    }) : () -> ()
    return
  }
}

module attributes {stable_mosaic.version = 14 : i64} {
  func.func @_phase2_body(%arg0: memref<2x1024x128xf32, #tpu.memory_space<vmem>>, %arg1: memref<2x1024x128xf32, #tpu.memory_space<vmem>>, %arg2: memref<2x1024x128xf32, #tpu.memory_space<vmem>>, %arg3: memref<1000x128xf32, #tpu.memory_space<vmem>>, %arg4: memref<1000x128xf32, #tpu.memory_space<vmem>>, %arg5: memref<1000x128xf32, #tpu.memory_space<vmem>>, %arg6: memref<1000x128xf32, #tpu.memory_space<vmem>>, %arg7: memref<1000x128xf32, #tpu.memory_space<vmem>>, %arg8: memref<1000x128xi32, #tpu.memory_space<vmem>>) attributes {dimension_semantics = [], scalar_prefetch = 0 : i64, scratch_operands = 0 : i64, tpu.core_type = #tpu.core_type<tc>} {
    %get3A = arith.constant 0 : index
    %get3A_0 = arith.constant 0 : index
    %get3A_1 = arith.constant 0 : index
    %get3A_2 = vector.load %arg0[%get3A, %get3A_0, %get3A_1] : memref<2x1024x128xf32, #tpu.memory_space<vmem>>, vector<1x1000x128xf32>
    %get3A_3 = vector.shape_cast %get3A_2 : vector<1x1000x128xf32> to vector<1000x128xf32>
    %get3A_4 = arith.constant 1 : index
    %get3A_5 = arith.constant 0 : index
    %get3A_6 = arith.constant 0 : index
    %get3A_7 = vector.load %arg0[%get3A_4, %get3A_5, %get3A_6] : memref<2x1024x128xf32, #tpu.memory_space<vmem>>, vector<1x1000x128xf32>
    %get3A_8 = vector.shape_cast %get3A_7 : vector<1x1000x128xf32> to vector<1000x128xf32>
    %add3A = arith.addf %get3A_3, %get3A_8 : vector<1000x128xf32>
    %get3A_9 = arith.constant 0 : index
    %get3A_10 = arith.constant 0 : index
    %get3A_11 = arith.constant 0 : index
    %get3A_12 = vector.load %arg1[%get3A_9, %get3A_10, %get3A_11] : memref<2x1024x128xf32, #tpu.memory_space<vmem>>, vector<1x1000x128xf32>
    %get3A_13 = vector.shape_cast %get3A_12 : vector<1x1000x128xf32> to vector<1000x128xf32>
    %get3A_14 = arith.constant 1 : index
    %get3A_15 = arith.constant 0 : index
    %get3A_16 = arith.constant 0 : index
    %get3A_17 = vector.load %arg1[%get3A_14, %get3A_15, %get3A_16] : memref<2x1024x128xf32, #tpu.memory_space<vmem>>, vector<1x1000x128xf32>
    %get3A_18 = vector.shape_cast %get3A_17 : vector<1x1000x128xf32> to vector<1000x128xf32>
    %add3A_19 = arith.addf %get3A_13, %get3A_18 : vector<1000x128xf32>
    %get3A_20 = arith.constant 0 : index
    %get3A_21 = arith.constant 0 : index
    %get3A_22 = arith.constant 0 : index
    %get3A_23 = vector.load %arg2[%get3A_20, %get3A_21, %get3A_22] : memref<2x1024x128xf32, #tpu.memory_space<vmem>>, vector<1x1000x1xf32>
    %get3A_24 = vector.shape_cast %get3A_23 : vector<1x1000x1xf32> to vector<1000x1xf32>
    %get3A_25 = arith.constant 1 : index
    %get3A_26 = arith.constant 0 : index
    %get3A_27 = arith.constant 0 : index
    %get3A_28 = vector.load %arg2[%get3A_25, %get3A_26, %get3A_27] : memref<2x1024x128xf32, #tpu.memory_space<vmem>>, vector<1x1000x1xf32>
    %get3A_29 = vector.shape_cast %get3A_28 : vector<1x1000x1xf32> to vector<1000x1xf32>
    %add3A_30 = arith.addf %get3A_24, %get3A_29 : vector<1000x1xf32>
    %broadcast_in_dim3A = vector.shape_cast %add3A_30 : vector<1000x1xf32> to vector<1000x1xf32>
    %broadcast_in_dim3A_31 = vector.broadcast %broadcast_in_dim3A : vector<1000x1xf32> to vector<1000x128xf32>
    %get3A_32 = arith.constant 0 : index
    %get3A_33 = arith.constant 0 : index
    %get3A_34 = vector.load %arg5[%get3A_32, %get3A_33] : memref<1000x128xf32, #tpu.memory_space<vmem>>, vector<1000x128xf32>
    %get3A_35 = arith.constant 0 : index
    %get3A_36 = arith.constant 0 : index
    %get3A_37 = vector.load %arg3[%get3A_35, %get3A_36] : memref<1000x128xf32, #tpu.memory_space<vmem>>, vector<1000x128xf32>
    %get3A_38 = arith.constant 0 : index
    %get3A_39 = arith.constant 0 : index
    %get3A_40 = vector.load %arg4[%get3A_38, %get3A_39] : memref<1000x128xf32, #tpu.memory_space<vmem>>, vector<1000x128xf32>
    %add3A_41 = arith.addf %get3A_34, %broadcast_in_dim3A_31 : vector<1000x128xf32>
    %max3A = arith.constant 1.000000e+00 : f32
    %max3A_42 = vector.broadcast %max3A : f32 to vector<1000x128xf32>
    %max3A_43 = arith.maximumf %add3A_41, %max3A_42 : vector<1000x128xf32>
    %mul3A = arith.mulf %get3A_37, %get3A_34 : vector<1000x128xf32>
    %add3A_44 = arith.addf %mul3A, %add3A : vector<1000x128xf32>
    %div3A = arith.divf %add3A_44, %max3A_43 : vector<1000x128xf32>
    %mul3A_45 = arith.constant 2.000000e+00 : f32
    %mul3A_46 = vector.broadcast %mul3A_45 : f32 to vector<1000x128xf32>
    %mul3A_47 = arith.mulf %mul3A_46, %div3A : vector<1000x128xf32>
    %mul3A_48 = arith.mulf %mul3A_47, %add3A : vector<1000x128xf32>
    %sub3A = arith.subf %add3A_19, %mul3A_48 : vector<1000x128xf32>
    %mul3A_49 = arith.mulf %broadcast_in_dim3A_31, %div3A : vector<1000x128xf32>
    %mul3A_50 = arith.mulf %mul3A_49, %div3A : vector<1000x128xf32>
    %add3A_51 = arith.addf %sub3A, %mul3A_50 : vector<1000x128xf32>
    %mul3A_52 = arith.mulf %get3A_40, %get3A_34 : vector<1000x128xf32>
    %add3A_53 = arith.addf %mul3A_52, %add3A_51 : vector<1000x128xf32>
    %div3A_54 = arith.divf %add3A_53, %max3A_43 : vector<1000x128xf32>
    %swap3A = arith.constant 0 : index
    %swap3A_55 = arith.constant 0 : index
    %swap3A_56 = vector.load %arg6[%swap3A, %swap3A_55] : memref<1000x128xf32, #tpu.memory_space<vmem>>, vector<1000x128xf32>
    tpu.vector_store %arg6[%swap3A, %swap3A_55], %div3A {strides = array<i32>} : memref<1000x128xf32, #tpu.memory_space<vmem>>, vector<1000x128xf32>,
    %swap3A_57 = arith.constant 0 : index
    %swap3A_58 = arith.constant 0 : index
    %swap3A_59 = vector.load %arg7[%swap3A_57, %swap3A_58] : memref<1000x128xf32, #tpu.memory_space<vmem>>, vector<1000x128xf32>
    tpu.vector_store %arg7[%swap3A_57, %swap3A_58], %div3A_54 {strides = array<i32>} : memref<1000x128xf32, #tpu.memory_space<vmem>>, vector<1000x128xf32>,
    %add3A_60 = arith.addf %get3A_34, %broadcast_in_dim3A_31 : vector<1000x128xf32>
    %convert_element_type3A = arith.fptosi %add3A_60 : vector<1000x128xf32> to vector<1000x128xi32>
    %swap3A_61 = arith.constant 0 : index
    %swap3A_62 = arith.constant 0 : index
    %swap3A_63 = vector.load %arg8[%swap3A_61, %swap3A_62] : memref<1000x128xi32, #tpu.memory_space<vmem>>, vector<1000x128xi32>
    tpu.vector_store %arg8[%swap3A_61, %swap3A_62], %convert_element_type3A {strides = array<i32>} : memref<1000x128xi32, #tpu.memory_space<vmem>>, vector<1000x128xi32>,
    return
  }
}

</mosaic_0001>

<sc_bundles>
// kernel: kernel.4.cloned.1.call-start
scs
__scs_entry_jumppad:
0x0: {  	(pc) =	sbr.rel $0x88, $3  }
0x1: {  	(tag) =	ssettag $0x0;
	lr =	simm.s32 $0x1  }
0x2: {  	[smem:$0x3F9C] =	sst lr;
	_ =	strace $0xD0000000  }
0x3: {  	_ = 	snop  }
0x4: {  	_ = 	snop  }
0x5: {  	_ = 	snop  }
0x6: {  	_ = 	snop  }
0x7: {  	_ = 	snop  }
__scs_overlays_trampoline_lowered:
0x8: {  	[smem:$0x3FAB] =	sst s0  }
0x9: {  	[smem:$0x3FAC] =	sst s1  }
0xa: {  	[smem:$0x3FAD] =	sst s2  }
0xb: {  	[smem:$0x3FAE] =	sst s3  }
0xc: {  	[smem:$0x3FAF] =	sst s4  }
0xd: {  	[smem:$0x3FB0] =	sst s5  }
0xe: {  	[smem:$0x3FB1] =	sst s6  }
0xf: {  	[smem:$0x3FB2] =	sst s7  }
0x10: {  	[smem:$0x3FB3] =	sst s8  }
0x11: {  	[smem:$0x3FB4] =	sst s9;
	s0 =	simm.s32 @!p0 $0x0  }
0x12: {  	s1 =	sld [smem:$0x3F9A];
	s0 =	simm.s32 @p0 $0x1  }
0x13: {  	[smem:$0x3FB5] =	sst s0;
	s0 =	simm.s32 @!p1 $0x0  }
0x14: {  	s2 =	sld [smem:$0x3F99];
	s0 =	simm.s32 @p1 $0x1  }
0x15: {  	[smem:$0x3FB6] =	sst s0;
	s0 =	simm.s32 @!p2 $0x0  }
0x16: {  	s3 =	sld [smem:$0x3FDB];
	s0 =	simm.s32 @p2 $0x1  }
0x17: {  	s4 =	simm.s32 $0x1BF5;
	[smem:$0x3FB8] =	sst s0  }
0x18: {  	s0 =	sld [smem:$0x3F9B];
	_ =	swait.ge [sflag:s4], $0x0  }
0x19: {  	s7 =	sld [smem:$0x3F9C]  }
0x1a: {  	s8 =	sadd.s32 $0xFFFFE003, lr  }
0x1b: {  	s9 =	sadd.s32 $0xFFFFFEF7, lr;
	s5 =	simm.s32 $0xFFFFFFFF;
	p2 =	slt.u32 s8, $0xFFFFF086  }
0x1c: {  	p1 =	slt.u32 s9, $0xF7A;
	s5 =	simm.s32 @!p2 $0x0  }
0x1d: {  	s5 =	simm.s32 @p1 $0x1;
	p0 =	seq.s32 s7, s2  }
0x1e: {  	s7 =	smul.u32 @!p0 $0xF7A, s2;
	p2 =	seq.s32 @!p0 s5, $0x0  }
0x1f: {  	s9 =	smul.u32 $0xF7A, s1;
	s8 =	simm.s32 @!p0 $0x1BF5;
	p2 =	por !p2, p0  }
0x20: {  	[sflag:s8] =	ssyncset.s32 @!p0 $0xFFFFF086;
	s6 =	sadd.s32 @!p0 s3, s7;
	s7 =	simm.s32 @!p0 $0x108  }
0x21: {  	s3 =	sadd.s32 s3, s9;
	s6 =	sadd.s32 @!p0 $0x88, s6;
	s7 =	simm.s32 @p2 $0x1082  }
0x22: {  	[simem:s7], [sflag:s8] =	dma.local @!p0 [hbm:s6], $0xF7A  }
0x23: {  	s9 =	sor.u32 $0xD0000000, s2;
	s6 =	simm.s32 $0x108;
	_ =	swait.ge @!p0 [sflag:s8], $0x0  }
0x24: {  	s3 =	sadd.s32 $0x88, s3;
	s6 =	simm.s32 @!p1 $0x1082;
	[sflag:s4] =	ssyncset.s32 $0xFFFFF086  }
0x25: {  	[simem:s6], [sflag:s4] =	dma.local [hbm:s3], $0xF7A  }
0x26: {  	[smem:$0x3F9C] =	sst s1;
	(tag) =	ssettag s2;
	_ =	strace s9  }
0x27: {  	s1 =	sld [smem:$0x3FAC]  }
0x28: {  	s2 =	sld [smem:$0x3FAD]  }
0x29: {  	s4 =	sld [smem:$0x3FAF]  }
0x2a: {  	p0 =	seq.s32 s5, $0x0;
	s5 =	sld [smem:$0x3FB0]  }
0x2b: {  	s6 =	sld [smem:$0x3FB1]  }
0x2c: {  	s7 =	sld [smem:$0x3FB2]  }
0x2d: {  	s3 =	simm.s32 $0x108;
	s8 =	sld [smem:$0x3FB3]  }
0x2e: {  	s3 =	simm.s32 @!p0 $0x1082;
	s9 =	sld [smem:$0x3FB4]  }
0x2f: {  	lr =	sadd.s32 s0, s3;
	s0 =	sld [smem:$0x3FAB]  }
0x30: {  	s3 =	sld [smem:$0x3FAE]  }
0x31: {  	[smem:$0x3FB7] =	sst s10  }
0x32: {  	s10 =	sld [smem:$0x3FB5];
	_ =	sdelay $0x3  }
0x33: {  	p0 =	seq.s32 s10, $0x1;
	s10 =	sld [smem:$0x3FB7];
	_ =	sdelay $0x3  }
0x34: {  	[smem:$0x3FB7] =	sst s10  }
0x35: {  	s10 =	sld [smem:$0x3FB6];
	_ =	sdelay $0x3  }
0x36: {  	p1 =	seq.s32 s10, $0x1;
	s10 =	sld [smem:$0x3FB7];
	_ =	sdelay $0x3  }
0x37: {  	[smem:$0x3FB7] =	sst s10  }
0x38: {  	s10 =	sld [smem:$0x3FB8]  }
0x39: {  	_ = 	snop;
	(pc) =	sbr.ind lr, $3  }
0x3a: {  	_ = 	snop  }
0x3b: {  	_ = 	snop  }
0x3c: {  	p2 =	seq.s32 s10, $0x1;
	s10 =	sld [smem:$0x3FB7]  }
0x3d: {  	_ =	shalt  }
0x3e: {  	_ =	shalt  }
0x3f: {  	_ =	shalt  }
0x40: {  	_ =	shalt  }
0x41: {  	_ =	shalt  }
0x42: {  	_ =	shalt  }
0x43: {  	_ =	shalt  }
0x44: {  	_ =	shalt  }
0x45: {  	_ =	shalt  }
0x46: {  	_ =	shalt  }
0x47: {  	_ =	shalt  }
0x48: {  	_ =	shalt  }
0x49: {  	_ =	shalt  }
0x4a: {  	_ =	shalt  }
0x4b: {  	_ =	shalt  }
0x4c: {  	_ =	shalt  }
0x4d: {  	_ =	shalt  }
0x4e: {  	_ =	shalt  }
0x4f: {  	_ =	shalt  }
0x50: {  	_ =	shalt  }
0x51: {  	_ =	shalt  }
0x52: {  	_ =	shalt  }
0x53: {  	_ =	shalt  }
0x54: {  	_ =	shalt  }
0x55: {  	_ =	shalt  }
0x56: {  	_ =	shalt  }
0x57: {  	_ =	shalt  }
0x58: {  	_ =	shalt  }
0x59: {  	_ =	shalt  }
0x5a: {  	_ =	shalt  }
0x5b: {  	_ =	shalt  }
0x5c: {  	_ =	shalt  }
0x5d: {  	_ =	shalt  }
0x5e: {  	_ =	shalt  }
0x5f: {  	_ =	shalt  }
0x60: {  	_ =	shalt  }
0x61: {  	_ =	shalt  }
0x62: {  	_ =	shalt  }
0x63: {  	_ =	shalt  }
0x64: {  	_ =	shalt  }
0x65: {  	_ =	shalt  }
0x66: {  	_ =	shalt  }
0x67: {  	_ =	shalt  }
0x68: {  	_ =	shalt  }
0x69: {  	_ =	shalt  }
0x6a: {  	_ =	shalt  }
0x6b: {  	_ =	shalt  }
0x6c: {  	_ =	shalt  }
0x6d: {  	_ =	shalt  }
0x6e: {  	_ =	shalt  }
0x6f: {  	_ =	shalt  }
0x70: {  	_ =	shalt  }
0x71: {  	_ =	shalt  }
0x72: {  	_ =	shalt  }
0x73: {  	_ =	shalt  }
0x74: {  	_ =	shalt  }
0x75: {  	_ =	shalt  }
0x76: {  	_ =	shalt  }
0x77: {  	_ =	shalt  }
0x78: {  	_ =	shalt  }
0x79: {  	_ =	shalt  }
0x7a: {  	_ =	shalt  }
0x7b: {  	_ =	shalt  }
0x7c: {  	_ =	shalt  }
0x7d: {  	_ =	shalt  }
0x7e: {  	_ =	shalt  }
0x7f: {  	_ =	shalt  }
0x80: {  	_ =	shalt  }
0x81: {  	_ =	shalt  }
0x82: {  	_ =	shalt  }
0x83: {  	_ =	shalt  }
0x84: {  	_ =	shalt  }
0x85: {  	_ =	shalt  }
0x86: {  	_ =	shalt  }
0x87: {  	_ =	shalt  }
.Lfunc_end0:
.L_simem_size_0:
called_computation_lowered:
.L_overlay_start_0:
0x88: {  	s2 =	sld [smem:$0x3FD9]  }
0x89: {  	s3 =	sld [smem:$0x3FFE];
	_ =	sdelay $0x1  }
0x8a: {  	s1 =	srdreg.scid  }
0x8b: {  	s0 =	sand.u32 $0x1, s1  }
0x8c: {  	s14 =	sshll.u32 s0, $0xA;
	s2 =	sadd.s32 s3, s2  }
0x8d: {  	s2 =	sadd.s32 s2, s14  }
0x8e: {  	[smem:$0x3FC3] =	sst s2  }
0x8f: {  	_ = 	snop  }
0x90: {  	s2 =	sld [smem:$0x3FD0];
	_ =	sdelay $0x1  }
0x91: {  	s15 =	sld [smem:$0x3FC9]  }
0x92: {  	s5 =	simm.s32 $0xA;
	s6 =	simm.s32 $0x10;
	s4 =	sld [smem:$0x3FC8]  }
0x93: {  	[smem:s6], [sflag:s5] =	dma.local [hbm:s2], $0x1  }
0x94: {  	_ =	swait.eq [sflag:s5], $0x1  }
0x95: {  	[sflag:s5] =	ssyncset.done $0x0  }
0x96: {  	[sflag:s5] =	ssyncadd.s32 $0xFFFFFFFF  }
0x97: {  	s16 =	sld [smem:$0x11];
	(tm) =	ssettm $0x1  }
0x98: {  	s17 =	sld [smem:$0x3FFB];
	_ =	sdelay $0x3  }
0x99: {  	_ =	strace s17  }
0x9a: {  	s5 =	sld [smem:$0x3FFC];
	_ =	sdelay $0x3  }
0x9b: {  	_ =	strace s5  }
0x9c: {  	s5 =	sld [smem:$0x3FFD];
	_ =	sdelay $0x3  }
0x9d: {  	_ =	strace s5  }
0x9e: {  	_ =	strace $0x8FFFFFFF  }
0x9f: {  	s18 =	sld [smem:$0x3FDB];
	_ =	sdelay $0x1  }
0xa0: {  	s19 =	simm.s32 $_scs_section_size  }
0xa1: {  	s7 =	simm.s32 $_size__tile_overlayer_lowered;
	s8 =	simm.s32 $_tile_overlayer_lowered  }
0xa2: {  	s22 =	simm.s32 $0x1BFF;
	s21 =	sshll.u32 s8, $0x1;
	s5 =	sadd.s32 s19, s18  }
0xa3: {  	s9 =	simm.s32 $0x0;
	s20 =	sshll.u32 s7, $0x1;
	s7 =	sadd.s32 s21, s5  }
0xa4: {  	[timem:s9], [sflag:s22] =	dma.local [hbm:s7], s20  }
0xa5: {  	_ =	swait.ge [sflag:s22], s20  }
0xa6: {  	s6 =	ssub.s32 $0x0, s20;
	[sflag:s22] =	ssyncset.done $0x0  }
0xa7: {  	[sflag:s22] =	ssyncadd.s32 s6;
	_ =	sdelay $0x1  }
0xa8: {  	s23 =	simm.s32 $0x1B8B  }
0xa9: {  	_ =	swait.ge [sflag:s23], $0x1  }
0xaa: {  	[sflag:s23] =	ssyncset.done $0x0  }
0xab: {  	s25 =	simm.s32 $0x1B8E;
	s24 =	sld [smem:$0x3FFE];
	[sflag:s23] =	ssyncadd.s32 $0xFFFFFFFF  }
0xac: {  	s26 =	simm.s32 $execute0_lowered;
	[smem:$0x3FD2] =	sst s25  }
0xad: {  	s7 =	sshll.u32 s26, $0x1;
	_ =	strace $0x80000046;
	[dreg:$0x1] =	wrdreg $0xFFFFFFFF  }
0xae: {  	s28 =	simm.s32 $_size_execute0_lowered;
	s5 =	sadd.s32 s5, s7;
	[dreg:$0x0] =	wrdreg $0x0  }
0xaf: {  	s7 =	sshll.u32 s28, $0x1;
	[dreg:$0x2] =	wrdreg s5  }
0xb0: {  	[dreg:$0x3] =	wrdreg s7  }
0xb1: {  	[dreg:$0x4] =	wrdreg $0xC0  }
0xb2: {  	_ =	task [dreg:s9], $0x5FFFF  }
0xb3: {  	[dreg:$0x1] =	wrdreg $0xFFFFFFFF  }
0xb4: {  	[dreg:$0x0] =	wrdreg $0x60  }
0xb5: {  	[dreg:$0x2] =	wrdreg s15  }
0xb6: {  	[dreg:$0x3] =	wrdreg s4  }
0xb7: {  	[dreg:$0x4] =	wrdreg s24  }
0xb8: {  	[dreg:$0x5] =	wrdreg s16  }
0xb9: {  	[dreg:$0x6] =	wrdreg $0x0  }
0xba: {  	[dreg:$0x7] =	wrdreg $0x20000  }
0xbb: {  	[dreg:$0x8] =	wrdreg $0x40000  }
0xbc: {  	[dreg:$0x9] =	wrdreg $0x9  }
0xbd: {  	_ =	task.clear_ibuf [dreg:s9], $0xAFFFF;
	_ =	strace $0x90000046  }
0xbe: {  	s29 =	simm.s32 $0x9;
	_ =	strace $0x80000048  }
0xbf: {  	_ =	swait.ge [sflag:s29], $0x1  }
0xc0: {  	[sflag:s29] =	ssyncadd.s32 $0xFFFFFFFF  }
0xc1: {  	_ =	strace $0x90000048  }
0xc2: {  	_ =	sfence  }
0xc3: {  	s30 =	sld [smem:$0x0];
	_ =	sdelay $0x2  }
0xc4: {  	s31 =	sshll.u32 s1, $0xD;
	s1 =	sshrl.u32 s1, $0x2  }
0xc5: {  	s3 =	sand.u32 $0x4000, s31;
	s1 =	sadd.s32 s1, s30  }
0xc6: {  	s0 =	sor.u32 s3, s0;
	s1 =	sshll.u32 s1, $0x11  }
0xc7: {  	s0 =	sor.u32 s1, s0  }
0xc8: {  	s0 =	sadd.s32 $0x8F2B, s0  }
0xc9: {  	[sflag:s0] =	ssyncadd.remote.s32 $0x1  }
0xca: {  	_ =	sfence.sel $0xFFFF  }
0xcb: {  	[dreg:$0x0] =	wrdreg $0xFFFFFFFF;
	(pc) =	sbr.abs _section_cstart, $3  }
0xcc: {  	[dreg:$0x1] =	wrdreg $0xFFFFFFFF  }
0xcd: {  	_ =	task.clear_ibuf [dreg:s9], $0x2FFFF;
	_ =	strace $0x9FFFFFFF  }
0xce: {  	(tm) =	ssettm $0x7FFFFFFF  }
0xcf: {  	_ =	shalt  }
tec
execute0_lowered:
.L_overlay_start_1:
0x0: {  	(tag) =	ssettag $0x1  }
0x1: {  	s0 =	rddreg [dreg:$0x0]  }
0x2: {  	s2 =	rddreg [dreg:$0x1]  }
0x3: {  	s1 =	rddreg [dreg:$0x2]  }
0x4: {  	s4 =	rddreg [dreg:$0x4]  }
0x5: {  	s5 =	rddreg [dreg:$0x5]  }
0x6: {  	s6 =	rddreg [dreg:$0x6]  }
0x7: {  	s8 =	simm.s32 $0x0;
	s3 =	srdreg.scid;
	s10 =	stileid.u32  }
0x8: {  	s28 =	simm.s32 $0x10000;
	s29 =	simm.s32 $0x8800;
	s30 =	simm.s32 $0x10080  }
0x9: {  	s31 =	simm.s32 $0x1;
	s15 =	simm.s32 $0x0;
	[smem:$0x7FF] =	sst s8  }
0xa: {  	s3 =	sand.u32 $0x1, s3;
	s7 =	sshll.u32 s10, $0xD;
	s10 =	sshll.u32 s10, $0x1  }
0xb: {  	s11 =	sadd.s32 $0x1600, s1;
	_ =	strace $0x80000047;
	s9 =	sshll.u32 s3, $0x11  }
0xc: {  	[dreg:$0x8] =	wrdreg s11;
	s10 =	sor.u32 s3, s10;
	s3 =	ssub.s32 $0x2, s3  }
0xd: {  	s11 =	sadd.s32 s7, s5;
	s12 =	sadd.s32 s7, s6;
	s13 =	smul.u32 $0x2710, s10  }
0xe: {  	s9 =	sor.u32 s7, s9;
	s18 =	sshrl.u32 s3, $0x1;
	s14 =	smul.u32 $0x27100, s10  }
0xf: {  	s10 =	sadd.s32 s7, s4;
	s9 =	sshrl.u32 s9, $0x3;
	s3 =	ssub.s32 s3, s18  }
0x10: {  	s1 =	sadd.s32 s9, s1;
	s19 =	sadd.s32 s0, s14;
	s20 =	sadd.s32 $0x50, s13  }
0x11: {  	s21 =	sshrl.u32 s13, $0x3;
	s17 =	sadd.s32 $0xA0, s13;
	s18 =	sadd.s32 $0xF0, s13  }
0x12: {  	s26 =	smax.u32 s3, $0x1;
	s3 =	simm.s32 $0xB000;
	s13 =	simm.s32 $0x4  }
0x13: {  	s14 =	simm.s32 $0xD800;
	[dreg:$0x9] =	wrdreg s19;
	s22 =	sshll.u32 s20, $0x4  }
0x14: {  	s7 =	sshrl.u32 s20, $0x3;
	s9 =	sadd.s32 s2, s21;
	[dreg:$0x10] =	wrdreg s26  }
0x15: {  	s24 =	sadd.s32 $0x5600, s1;
	s25 =	sadd.s32 $0xD600, s1;
	[dreg:$0xa] =	wrdreg s9  }
0x16: {  	s1 =	sadd.s32 $0x15600, s1;
	s26 =	simm.s32 $0x6000;
	[dreg:$0xd] =	wrdreg s24  }
0x17: {  	s23 =	sadd.s32 s0, s22;
	s7 =	sadd.s32 s2, s7;
	[dreg:$0xe] =	wrdreg s25  }
0x18: {  	[dreg:$0xf] =	wrdreg s1;
	s24 =	simm.s32 $0x5;
	s25 =	simm.s32 $0x10100  }
0x19: {  	s1 =	simm.s32 $0x3;
	s9 =	simm.s32 $0x2;
	[dreg:$0xb] =	wrdreg s23  }
0x1a: {  	[dreg:$0xc] =	wrdreg s7;
	s23 =	simm.s32 $0x12900;
	s7 =	simm.s32 $0x50  }
.LBB2_1:
0x1b: {  	s16 =	rddreg [dreg:$0x8]  }
0x1c: {  	[tilespmem:s23], [sflag:$0x5] =	stream.linear.gather [hbm4b:s16+s8], $0x2000, $0x38;
	[tilespmem:$0x14900] =	vst v63  }
0x1d: {  	_ =	swait.ge [sflag:s24], $0x2000  }
0x1e: {  	[sflag:s24] =	ssyncset.done $0x0  }
0x1f: {  	[sflag:s24] =	ssyncadd.s32 $0xFFFFE000  }
0x20: {  	s22 =	rddreg [dreg:$0x3]  }
0x21: {  	[tilespmem:s25], [sflag:$0x5] =	stream.linear.gather [hbm4b:s22+s8], $0x2800, $0x38;
	[tilespmem:$0x14900] =	vst v63  }
0x22: {  	_ =	swait.ge [sflag:s24], $0x2800  }
0x23: {  	[sflag:s24] =	ssyncset.done $0x0  }
0x24: {  	[sflag:s24] =	ssyncadd.s32 $0xFFFFD800  }
0x25: {  	[spmem:s10] =	stream.linear.scatter [tilespmem:s23], [sflag:$0x5], $0x2000, $0x38;
	[tilespmem:$0x14900] =	vst v63  }
0x26: {  	_ =	swait.ge [sflag:s24], $0x2000  }
0x27: {  	[sflag:s24] =	ssyncset.done $0x0  }
0x28: {  	[sflag:s24] =	ssyncadd.s32 $0xFFFFE000  }
0x29: {  	[spmem:s11] =	stream.linear.scatter [tilespmem:s23], [sflag:$0x5], $0x2000, $0x38;
	[tilespmem:$0x14900] =	vst v63  }
0x2a: {  	_ =	swait.ge [sflag:s24], $0x2000  }
0x2b: {  	[sflag:s24] =	ssyncset.done $0x0  }
0x2c: {  	[sflag:s24] =	ssyncadd.s32 $0xFFFFE000  }
0x2d: {  	[spmem:s12] =	stream.linear.scatter [tilespmem:s23], [sflag:$0x5], $0x2000, $0x38;
	[tilespmem:$0x14900] =	vst v63  }
0x2e: {  	_ =	swait.ge [sflag:s24], $0x2000  }
0x2f: {  	[sflag:s24] =	ssyncset.done $0x0  }
0x30: {  	[sflag:s24] =	ssyncadd.s32 $0xFFFFE000  }
0x31: {  	[bflag:$0x0] =	sbarrier.arrive $0xFFFF  }
0x32: {  	s19 =	rddreg [dreg:$0x9]  }
0x33: {  	[tilespmem:s26], [sflag:$0x1] =	stream.linear.gather [hbm4b:s19+s8], $0x2800, $0x38;
	[tilespmem:$0x14900] =	vst v63  }
0x34: {  	s20 =	rddreg [dreg:$0xa]  }
0x35: {  	[tilespmem:s28], [sflag:$0x3] =	stream.linear.gather [hbm4b:s20+s8], $0x50, $0x38;
	[tilespmem:$0x14900] =	vst v63  }
0x36: {  	s21 =	rddreg [dreg:$0xb]  }
0x37: {  	[tilespmem:s29], [sflag:$0x2] =	stream.linear.gather [hbm4b:s21+s8], $0x2800, $0x38;
	[tilespmem:$0x14900] =	vst v63  }
0x38: {  	s16 =	simm.s32 $0x0;
	s22 =	rddreg [dreg:$0xc]  }
0x39: {  	[tilespmem:s30], [sflag:$0x4] =	stream.linear.gather [hbm4b:s22+s8], $0x50, $0x38;
	[tilespmem:$0x14900] =	vst v63  }
.LBB2_2:
0x3a: {  	_ =	swait.ge [sflag:s31], $0x2800  }
0x3b: {  	[sflag:s31] =	ssyncset.done $0x0  }
0x3c: {  	[sflag:s31] =	ssyncadd.s32 $0xFFFFD800  }
0x3d: {  	_ =	swait.ge [sflag:s1], $0x50  }
0x3e: {  	[sflag:s1] =	ssyncset.done $0x0  }
0x3f: {  	s20 =	simm.s32 $0x0;
	[sflag:s1] =	ssyncadd.s32 $0xFFFFFFB0  }
0x40: {  	v1 =	vld [tilespmem:s20+$0x6070]  }
0x41: {  	v5 =	vld [tilespmem:s20+$0x6000]  }
0x42: {  	v6 =	vld [tilespmem:s20+$0x6010]  }
0x43: {  	v4 =	vld [tilespmem:s20+$0x6020]  }
0x44: {  	v3 =	vld [tilespmem:s20+$0x6030]  }
0x45: {  	v0 =	vld [tilespmem:s20+$0x6040];
	v7 =	vmul.f32 v1, v1  }
0x46: {  	v1 =	vld [tilespmem:s20+$0x6050];
	v5 =	vmul.f32 v5, v5  }
0x47: {  	s19 =	simm.s32 $0x80;
	s21 =	simm.s32 $0x400;
	v2 =	vld [tilespmem:s20+$0x6060];
	v6 =	vmul.f32 v6, v6;
	[tilespmem:s20+$0xB070] =	vst v7  }
.LBB2_3:
0x48: {  	p0 =	sne.s32 s21, $0x9E00;
	v7 =	vld [tilespmem:s19+$0x6070];
	[tilespmem:s20+$0xB000] =	vst v5;
	v4 =	vmul.f32 v4, v4  }
0x49: {  	v5 =	vld [tilespmem:s19+$0x6000];
	[tilespmem:s20+$0xB010] =	vst v6;
	v3 =	vmul.f32 v3, v3  }
0x4a: {  	v6 =	vld [tilespmem:s19+$0x6010];
	[tilespmem:s20+$0xB020] =	vst v4;
	v0 =	vmul.f32 v0, v0  }
.Ltmp0:
0x4b: {  	v4 =	vld [tilespmem:s19+$0x6020];
	[tilespmem:s20+$0xB030] =	vst v3;
	v1 =	vmul.f32 v1, v1;
	(pc) =	sbr.rel @p0 .LBB2_3-.Ltmp0, $4  }
0x4c: {  	v3 =	vld [tilespmem:s19+$0x6030];
	[tilespmem:s20+$0xB040] =	vst v0;
	v2 =	vmul.f32 v2, v2  }
0x4d: {  	v0 =	vld [tilespmem:s19+$0x6040];
	v7 =	vmul.f32 v7, v7;
	[tilespmem:s20+$0xB050] =	vst v1  }
0x4e: {  	v5 =	vmul.f32 v5, v5;
	v1 =	vld [tilespmem:s19+$0x6050];
	[tilespmem:s20+$0xB060] =	vst v2;
	s20 =	smov.u32 s19  }
0x4f: {  	s19 =	sshra.s32 s21, $0x2;
	s21 =	sadd.s32 $0x200, s21;
	v6 =	vmul.f32 v6, v6;
	v2 =	vld [tilespmem:s20+$0x6060];
	[tilespmem:s20+$0xB070] =	vst v7  }
0x50: {  	v7 =	vld [tilespmem:s19+$0x6070];
	[tilespmem:s20+$0xB000] =	vst v5;
	v4 =	vmul.f32 v4, v4  }
0x51: {  	v5 =	vld [tilespmem:s19+$0x6000];
	[tilespmem:s20+$0xB010] =	vst v6;
	v3 =	vmul.f32 v3, v3  }
0x52: {  	v6 =	vld [tilespmem:s19+$0x6010];
	[tilespmem:s20+$0xB020] =	vst v4;
	v0 =	vmul.f32 v0, v0  }
0x53: {  	v4 =	vld [tilespmem:s19+$0x6020];
	[tilespmem:s20+$0xB030] =	vst v3;
	v1 =	vmul.f32 v1, v1  }
0x54: {  	v3 =	vld [tilespmem:s19+$0x6030];
	[tilespmem:s20+$0xB040] =	vst v0;
	v2 =	vmul.f32 v2, v2  }
0x55: {  	v0 =	vld [tilespmem:s19+$0x6040];
	[tilespmem:s20+$0xB050] =	vst v1;
	v7 =	vmul.f32 v7, v7  }
0x56: {  	v1 =	vld [tilespmem:s19+$0x6050];
	[tilespmem:s20+$0xB060] =	vst v2;
	v2 =	vmul.f32 v5, v5  }
0x57: {  	v5 =	vld [tilespmem:s19+$0x6060];
	v6 =	vmul.f32 v6, v6;
	[tilespmem:s19+$0xB070] =	vst v7  }
0x58: {  	[tilespmem:s19+$0xB000] =	vst v2;
	v2 =	vmul.f32 v4, v4  }
0x59: {  	[tilespmem:s19+$0xB010] =	vst v6;
	v3 =	vmul.f32 v3, v3  }
0x5a: {  	[tilespmem:s19+$0xB020] =	vst v2;
	v0 =	vmul.f32 v0, v0  }
0x5b: {  	[tilespmem:s19+$0xB030] =	vst v3;
	v1 =	vmul.f32 v1, v1  }
0x5c: {  	[tilespmem:s19+$0xB040] =	vst v0;
	v0 =	vmul.f32 v5, v5  }
0x5d: {  	[tilespmem:s19+$0xB050] =	vst v1  }
0x5e: {  	[tilespmem:s19+$0xB060] =	vst v0  }
0x5f: {  	[spmem:s4] =	stream.indirect.scatter.add.f32 [tilespmem:s26], [sflag:$0x5], $0x80, s28, s7, $0xb8;
	[tilespmem:$0x14900] =	vst v63  }
0x60: {  	_ =	swait.ge [sflag:s24], $0x2800  }
0x61: {  	[sflag:s24] =	ssyncset.done $0x0  }
0x62: {  	[sflag:s24] =	ssyncadd.s32 $0xFFFFD800  }
0x63: {  	[spmem:s5] =	stream.indirect.scatter.add.f32 [tilespmem:s3], [sflag:$0x5], $0x80, s28, s7, $0xb8;
	[tilespmem:$0x14900] =	vst v63  }
0x64: {  	_ =	swait.ge [sflag:s24], $0x2800  }
0x65: {  	[sflag:s24] =	ssyncset.done $0x0  }
0x66: {  	s19 =	smul.u32 $0xA0, s16;
	[sflag:s24] =	ssyncadd.s32 $0xFFFFD800  }
0x67: {  	[spmem:s6] =	stream.indirect.scatter.add.f32 [tilespmem:s25], [sflag:$0x5], $0x80, s28, s7, $0xb8;
	[tilespmem:$0x14900] =	vst v63  }
0x68: {  	s20 =	sadd.s32 s19, s17;
	_ =	swait.ge [sflag:s24], $0x2800  }
0x69: {  	s22 =	simm.s32 $0x0;
	s21 =	sshll.u32 s20, $0x4;
	[sflag:s24] =	ssyncset.done $0x0  }
0x6a: {  	s20 =	sshrl.u32 s20, $0x3;
	s21 =	sadd.s32 s0, s21;
	[sflag:s24] =	ssyncadd.s32 $0xFFFFD800  }
0x6b: {  	[tilespmem:s26], [sflag:$0x1] =	stream.linear.gather [hbm4b:s21+s22], $0x2800, $0x38;
	[tilespmem:$0x14900] =	vst v63  }
0x6c: {  	s20 =	sadd.s32 s2, s20  }
0x6d: {  	[tilespmem:s28], [sflag:$0x3] =	stream.linear.gather [hbm4b:s20+s22], $0x50, $0x38;
	[tilespmem:$0x14900] =	vst v63  }
0x6e: {  	_ =	swait.ge [sflag:s9], $0x2800  }
0x6f: {  	[sflag:s9] =	ssyncset.done $0x0  }
0x70: {  	[sflag:s9] =	ssyncadd.s32 $0xFFFFD800  }
0x71: {  	_ =	swait.ge [sflag:s13], $0x50  }
0x72: {  	[sflag:s13] =	ssyncset.done $0x0  }
0x73: {  	s21 =	simm.s32 $0x0;
	[sflag:s13] =	ssyncadd.s32 $0xFFFFFFB0  }
0x74: {  	v1 =	vld [tilespmem:s21+$0x8870]  }
0x75: {  	v5 =	vld [tilespmem:s21+$0x8800]  }
0x76: {  	v6 =	vld [tilespmem:s21+$0x8810]  }
0x77: {  	v4 =	vld [tilespmem:s21+$0x8820]  }
0x78: {  	v3 =	vld [tilespmem:s21+$0x8830]  }
0x79: {  	v0 =	vld [tilespmem:s21+$0x8840];
	v7 =	vmul.f32 v1, v1  }
0x7a: {  	v1 =	vld [tilespmem:s21+$0x8850];
	v5 =	vmul.f32 v5, v5  }
0x7b: {  	s20 =	simm.s32 $0x80;
	s22 =	simm.s32 $0x400;
	v2 =	vld [tilespmem:s21+$0x8860];
	v6 =	vmul.f32 v6, v6;
	[tilespmem:s21+$0xD870] =	vst v7  }
.LBB2_5:
0x7c: {  	p0 =	sne.s32 s22, $0x9E00;
	v7 =	vld [tilespmem:s20+$0x8870];
	[tilespmem:s21+$0xD800] =	vst v5;
	v4 =	vmul.f32 v4, v4  }
0x7d: {  	v5 =	vld [tilespmem:s20+$0x8800];
	[tilespmem:s21+$0xD810] =	vst v6;
	v3 =	vmul.f32 v3, v3  }
0x7e: {  	v6 =	vld [tilespmem:s20+$0x8810];
	[tilespmem:s21+$0xD820] =	vst v4;
	v0 =	vmul.f32 v0, v0  }
.Ltmp1:
0x7f: {  	v4 =	vld [tilespmem:s20+$0x8820];
	[tilespmem:s21+$0xD830] =	vst v3;
	v1 =	vmul.f32 v1, v1;
	(pc) =	sbr.rel @p0 .LBB2_5-.Ltmp1, $4  }
0x80: {  	v3 =	vld [tilespmem:s20+$0x8830];
	[tilespmem:s21+$0xD840] =	vst v0;
	v2 =	vmul.f32 v2, v2  }
0x81: {  	v0 =	vld [tilespmem:s20+$0x8840];
	v7 =	vmul.f32 v7, v7;
	[tilespmem:s21+$0xD850] =	vst v1  }
0x82: {  	v5 =	vmul.f32 v5, v5;
	v1 =	vld [tilespmem:s20+$0x8850];
	[tilespmem:s21+$0xD860] =	vst v2;
	s21 =	smov.u32 s20  }
0x83: {  	s20 =	sshra.s32 s22, $0x2;
	s22 =	sadd.s32 $0x200, s22;
	v6 =	vmul.f32 v6, v6;
	v2 =	vld [tilespmem:s21+$0x8860];
	[tilespmem:s21+$0xD870] =	vst v7  }
0x84: {  	v7 =	vld [tilespmem:s20+$0x8870];
	[tilespmem:s21+$0xD800] =	vst v5;
	v4 =	vmul.f32 v4, v4  }
0x85: {  	v5 =	vld [tilespmem:s20+$0x8800];
	[tilespmem:s21+$0xD810] =	vst v6;
	v3 =	vmul.f32 v3, v3  }
0x86: {  	v6 =	vld [tilespmem:s20+$0x8810];
	[tilespmem:s21+$0xD820] =	vst v4;
	v0 =	vmul.f32 v0, v0  }
0x87: {  	v4 =	vld [tilespmem:s20+$0x8820];
	[tilespmem:s21+$0xD830] =	vst v3;
	v1 =	vmul.f32 v1, v1  }
0x88: {  	v3 =	vld [tilespmem:s20+$0x8830];
	[tilespmem:s21+$0xD840] =	vst v0;
	v2 =	vmul.f32 v2, v2  }
0x89: {  	v0 =	vld [tilespmem:s20+$0x8840];
	[tilespmem:s21+$0xD850] =	vst v1;
	v7 =	vmul.f32 v7, v7  }
0x8a: {  	v1 =	vld [tilespmem:s20+$0x8850];
	[tilespmem:s21+$0xD860] =	vst v2;
	v60 =	vmul.f32 v5, v5  }
0x8b: {  	v61 =	vld [tilespmem:s20+$0x8860];
	v6 =	vmul.f32 v6, v6;
	[tilespmem:s20+$0xD870] =	vst v7  }
0x8c: {  	[tilespmem:s20+$0xD800] =	vst v60;
	v62 =	vmul.f32 v4, v4  }
0x8d: {  	[tilespmem:s20+$0xD810] =	vst v6;
	v3 =	vmul.f32 v3, v3  }
0x8e: {  	[tilespmem:s20+$0xD820] =	vst v62;
	v0 =	vmul.f32 v0, v0  }
0x8f: {  	[tilespmem:s20+$0xD830] =	vst v3;
	v1 =	vmul.f32 v1, v1  }
0x90: {  	[tilespmem:s20+$0xD840] =	vst v0;
	v63 =	vmul.f32 v61, v61  }
0x91: {  	[tilespmem:s20+$0xD850] =	vst v1  }
0x92: {  	[tilespmem:s20+$0xD860] =	vst v63  }
0x93: {  	[spmem:s4] =	stream.indirect.scatter.add.f32 [tilespmem:s29], [sflag:$0x5], $0x80, s30, s7, $0xb8;
	[tilespmem:$0x14900] =	vst v63  }
0x94: {  	_ =	swait.ge [sflag:s24], $0x2800  }
0x95: {  	[sflag:s24] =	ssyncset.done $0x0  }
0x96: {  	[sflag:s24] =	ssyncadd.s32 $0xFFFFD800  }
0x97: {  	[spmem:s5] =	stream.indirect.scatter.add.f32 [tilespmem:s14], [sflag:$0x5], $0x80, s30, s7, $0xb8;
	[tilespmem:$0x14900] =	vst v63  }
0x98: {  	_ =	swait.ge [sflag:s24], $0x2800  }
0x99: {  	p0 =	seq.s32 s16, $0x3D;
	[sflag:s24] =	ssyncset.done $0x0  }
.Ltmp2:
0x9a: {  	[sflag:s24] =	ssyncadd.s32 $0xFFFFD800;
	(pc) =	sbr.rel @p0 .LBB2_8-.Ltmp2, $4  }
0x9b: {  	[spmem:s6] =	stream.indirect.scatter.add.f32 [tilespmem:s25], [sflag:$0x5], $0x80, s30, s7, $0xb8;
	[tilespmem:$0x14900] =	vst v63  }
0x9c: {  	_ =	swait.ge [sflag:s24], $0x2800  }
0x9d: {  	[sflag:s24] =	ssyncset.done $0x0  }
0x9e: {  	[sflag:s24] =	ssyncadd.s32 $0xFFFFD800  }
0x9f: {  	s19 =	sadd.s32 s19, s18  }
.Ltmp3:
0xa0: {  	s20 =	sshll.u32 s19, $0x4;
	(pc) =	sbr.rel .LBB2_2-.Ltmp3, $4  }
0xa1: {  	s19 =	sshrl.u32 s19, $0x3;
	s20 =	sadd.s32 s0, s20  }
0xa2: {  	[tilespmem:s29], [sflag:$0x2] =	stream.linear.gather [hbm4b:s20+s8], $0x2800, $0x38;
	[tilespmem:$0x14900] =	vst v63  }
0xa3: {  	s16 =	sadd.s32 $0x1, s16;
	s19 =	sadd.s32 s2, s19  }
0xa4: {  	[tilespmem:s30], [sflag:$0x4] =	stream.linear.gather [hbm4b:s19+s8], $0x50, $0x38;
	[tilespmem:$0x14900] =	vst v63  }
.LBB2_8:
0xa5: {  	_ =	swait.ge [sflag:s31], $0x2800  }
0xa6: {  	[sflag:s31] =	ssyncset.done $0x0  }
0xa7: {  	[sflag:s31] =	ssyncadd.s32 $0xFFFFD800  }
0xa8: {  	_ =	swait.ge [sflag:s1], $0x50  }
0xa9: {  	[sflag:s1] =	ssyncset.done $0x0  }
0xaa: {  	s19 =	simm.s32 $0x0;
	[sflag:s1] =	ssyncadd.s32 $0xFFFFFFB0  }
0xab: {  	v1 =	vld [tilespmem:s19+$0x6070]  }
0xac: {  	v5 =	vld [tilespmem:s19+$0x6000]  }
0xad: {  	v6 =	vld [tilespmem:s19+$0x6010]  }
0xae: {  	v4 =	vld [tilespmem:s19+$0x6020]  }
0xaf: {  	v3 =	vld [tilespmem:s19+$0x6030]  }
0xb0: {  	v0 =	vld [tilespmem:s19+$0x6040];
	v7 =	vmul.f32 v1, v1  }
0xb1: {  	v1 =	vld [tilespmem:s19+$0x6050];
	v5 =	vmul.f32 v5, v5  }
0xb2: {  	s16 =	simm.s32 $0x80;
	s20 =	simm.s32 $0x400;
	v2 =	vld [tilespmem:s19+$0x6060];
	v6 =	vmul.f32 v6, v6;
	[tilespmem:s19+$0xB070] =	vst v7  }
.LBB2_9:
0xb3: {  	p0 =	sne.s32 s20, $0x9E00;
	v7 =	vld [tilespmem:s16+$0x6070];
	[tilespmem:s19+$0xB000] =	vst v5;
	v4 =	vmul.f32 v4, v4  }
0xb4: {  	v5 =	vld [tilespmem:s16+$0x6000];
	[tilespmem:s19+$0xB010] =	vst v6;
	v3 =	vmul.f32 v3, v3  }
0xb5: {  	v6 =	vld [tilespmem:s16+$0x6010];
	[tilespmem:s19+$0xB020] =	vst v4;
	v0 =	vmul.f32 v0, v0  }
.Ltmp4:
0xb6: {  	v4 =	vld [tilespmem:s16+$0x6020];
	[tilespmem:s19+$0xB030] =	vst v3;
	v1 =	vmul.f32 v1, v1;
	(pc) =	sbr.rel @p0 .LBB2_9-.Ltmp4, $4  }
0xb7: {  	v3 =	vld [tilespmem:s16+$0x6030];
	[tilespmem:s19+$0xB040] =	vst v0;
	v2 =	vmul.f32 v2, v2  }
0xb8: {  	v0 =	vld [tilespmem:s16+$0x6040];
	v7 =	vmul.f32 v7, v7;
	[tilespmem:s19+$0xB050] =	vst v1  }
0xb9: {  	v5 =	vmul.f32 v5, v5;
	v1 =	vld [tilespmem:s16+$0x6050];
	[tilespmem:s19+$0xB060] =	vst v2;
	s19 =	smov.u32 s16  }
0xba: {  	s16 =	sshra.s32 s20, $0x2;
	s20 =	sadd.s32 $0x200, s20;
	v6 =	vmul.f32 v6, v6;
	v2 =	vld [tilespmem:s19+$0x6060];
	[tilespmem:s19+$0xB070] =	vst v7  }
0xbb: {  	v7 =	vld [tilespmem:s16+$0x6070];
	[tilespmem:s19+$0xB000] =	vst v5;
	v4 =	vmul.f32 v4, v4  }
0xbc: {  	v5 =	vld [tilespmem:s16+$0x6000];
	[tilespmem:s19+$0xB010] =	vst v6;
	v3 =	vmul.f32 v3, v3  }
0xbd: {  	v6 =	vld [tilespmem:s16+$0x6010];
	[tilespmem:s19+$0xB020] =	vst v4;
	v0 =	vmul.f32 v0, v0  }
0xbe: {  	v4 =	vld [tilespmem:s16+$0x6020];
	[tilespmem:s19+$0xB030] =	vst v3;
	v1 =	vmul.f32 v1, v1  }
0xbf: {  	v3 =	vld [tilespmem:s16+$0x6030];
	[tilespmem:s19+$0xB040] =	vst v0;
	v2 =	vmul.f32 v2, v2  }
0xc0: {  	v0 =	vld [tilespmem:s16+$0x6040];
	[tilespmem:s19+$0xB050] =	vst v1;
	v7 =	vmul.f32 v7, v7  }
0xc1: {  	v1 =	vld [tilespmem:s16+$0x6050];
	[tilespmem:s19+$0xB060] =	vst v2;
	v60 =	vmul.f32 v5, v5  }
0xc2: {  	v61 =	vld [tilespmem:s16+$0x6060];
	v6 =	vmul.f32 v6, v6;
	[tilespmem:s16+$0xB070] =	vst v7  }
0xc3: {  	[tilespmem:s16+$0xB000] =	vst v60;
	v62 =	vmul.f32 v4, v4  }
0xc4: {  	[tilespmem:s16+$0xB010] =	vst v6;
	v3 =	vmul.f32 v3, v3  }
0xc5: {  	[tilespmem:s16+$0xB020] =	vst v62;
	v0 =	vmul.f32 v0, v0  }
0xc6: {  	[tilespmem:s16+$0xB030] =	vst v3;
	v1 =	vmul.f32 v1, v1  }
0xc7: {  	[tilespmem:s16+$0xB040] =	vst v0;
	v63 =	vmul.f32 v61, v61  }
0xc8: {  	[tilespmem:s16+$0xB050] =	vst v1  }
0xc9: {  	[tilespmem:s16+$0xB060] =	vst v63  }
0xca: {  	[spmem:s4] =	stream.indirect.scatter.add.f32 [tilespmem:s26], [sflag:$0x5], $0x80, s28, s7, $0xb8;
	[tilespmem:$0x14900] =	vst v63  }
0xcb: {  	_ =	swait.ge [sflag:s24], $0x2800  }
0xcc: {  	[sflag:s24] =	ssyncset.done $0x0  }
0xcd: {  	[sflag:s24] =	ssyncadd.s32 $0xFFFFD800  }
0xce: {  	[spmem:s5] =	stream.indirect.scatter.add.f32 [tilespmem:s3], [sflag:$0x5], $0x80, s28, s7, $0xb8;
	[tilespmem:$0x14900] =	vst v63  }
0xcf: {  	_ =	swait.ge [sflag:s24], $0x2800  }
0xd0: {  	[sflag:s24] =	ssyncset.done $0x0  }
0xd1: {  	[sflag:s24] =	ssyncadd.s32 $0xFFFFD800  }
0xd2: {  	[spmem:s6] =	stream.indirect.scatter.add.f32 [tilespmem:s25], [sflag:$0x5], $0x80, s28, s7, $0xb8;
	[tilespmem:$0x14900] =	vst v63  }
0xd3: {  	_ =	swait.ge [sflag:s24], $0x2800  }
0xd4: {  	[sflag:s24] =	ssyncset.done $0x0  }
0xd5: {  	[sflag:s24] =	ssyncadd.s32 $0xFFFFD800  }
0xd6: {  	[bflag:$0x0] =	sbarrier.arrive $0xFFFF  }
0xd7: {  	[tilespmem:s23], [sflag:$0x5] =	stream.linear.gather [spmem:s10], $0x2000, $0x38;
	[tilespmem:$0x14900] =	vst v63  }
0xd8: {  	_ =	swait.ge [sflag:s24], $0x2000  }
0xd9: {  	[sflag:s24] =	ssyncset.done $0x0  }
0xda: {  	s19 =	rddreg [dreg:$0xd];
	[sflag:s24] =	ssyncadd.s32 $0xFFFFE000  }
0xdb: {  	[hbm4b:s19+s8] =	stream.linear.scatter [tilespmem:s23], [sflag:$0x5], $0x2000, $0x38;
	[tilespmem:$0x14900] =	vst v63  }
0xdc: {  	_ =	swait.ge [sflag:s24], $0x2000  }
0xdd: {  	[sflag:s24] =	ssyncset.done $0x0  }
0xde: {  	[sflag:s24] =	ssyncadd.s32 $0xFFFFE000  }
0xdf: {  	[tilespmem:s23], [sflag:$0x5] =	stream.linear.gather [spmem:s11], $0x2000, $0x38;
	[tilespmem:$0x14900] =	vst v63  }
0xe0: {  	_ =	swait.ge [sflag:s24], $0x2000  }
0xe1: {  	[sflag:s24] =	ssyncset.done $0x0  }
0xe2: {  	s20 =	rddreg [dreg:$0xe];
	[sflag:s24] =	ssyncadd.s32 $0xFFFFE000  }
0xe3: {  	[hbm4b:s20+s8] =	stream.linear.scatter [tilespmem:s23], [sflag:$0x5], $0x2000, $0x38;
	[tilespmem:$0x14900] =	vst v63  }
0xe4: {  	_ =	swait.ge [sflag:s24], $0x2000  }
0xe5: {  	[sflag:s24] =	ssyncset.done $0x0  }
0xe6: {  	[sflag:s24] =	ssyncadd.s32 $0xFFFFE000  }
0xe7: {  	[tilespmem:s23], [sflag:$0x5] =	stream.linear.gather [spmem:s12], $0x2000, $0x38;
	[tilespmem:$0x14900] =	vst v63  }
0xe8: {  	_ =	swait.ge [sflag:s24], $0x2000  }
0xe9: {  	[sflag:s24] =	ssyncset.done $0x0  }
0xea: {  	s21 =	rddreg [dreg:$0xf];
	[sflag:s24] =	ssyncadd.s32 $0xFFFFE000  }
0xeb: {  	[hbm4b:s21+s8] =	stream.linear.scatter [tilespmem:s23], [sflag:$0x5], $0x2000, $0x38;
	[tilespmem:$0x14900] =	vst v63  }
0xec: {  	_ =	swait.ge [sflag:s24], $0x2000  }
0xed: {  	s15 =	sadd.s32 $0x1, s15;
	s22 =	rddreg [dreg:$0x10]  }
0xee: {  	p0 =	sne.s32 s15, s22  }
.Ltmp5:
0xef: {  	_ = 	snop;
	(pc) =	sbr.rel @p0 .LBB2_1-.Ltmp5, $3  }
0xf0: {  	_ =	sdelay $0x1  }
0xf1: {  	[sflag:s24] =	ssyncset.done $0x0  }
0xf2: {  	[sflag:s24] =	ssyncadd.s32 $0xFFFFE000  }
0xf3: {  	_ =	sfence.sel $0x180000  }
0xf4: {  	[bflag:$0x0] =	sbarrier.arrive $0xFFFF  }
0xf5: {  	_ =	strace $0x90000047  }
0xf6: {  	s0 =	stileid.u32;
	[bflag:$0x2] =	sbarrier.arrive $0xFFFF  }
0xf7: {  	p0 =	sne.s32 s0, $0x0;
	s0 =	rddreg [dreg:$0x7]  }
0xf8: {  	s0 =	sadd.s32 @!p0 $0x100000, s0  }
0xf9: {  	[sflag:s0] =	ssyncadd.tile.s32 @!p0 $0x1;
	_ =	shalt  }
.Lfunc_end2:
_tile_overlayer_lowered:
.L_overlay_start_2:
0xfa: {  	(tag) =	ssettag $0x2  }
0xfb: {  	s0 =	rddreg [dreg:$0x0];
	s2 =	stileid.u32  }
0xfc: {  	s1 =	rddreg [dreg:$0x1];
	p0 =	sne.s32 s2, $0x0  }
0xfd: {  	s3 =	rddreg [dreg:$0x2];
	[bflag:$0x3] =	sbarrier.arrive $0xFFFF;
	s2 =	simm.s32 @!p0 $0x1C05  }
0xfe: {  	[timem:s3], [sflag:s2] =	dma.local @!p0 [hbm:s0], s1  }
0xff: {  	s0 =	simm.s32 @!p0 $0x5  }
0x100: {  	_ =	swait.ge @!p0 [sflag:s0], s1  }
0x101: {  	s1 =	ssub.s32 @!p0 $0x0, s1;
	[sflag:s0] =	ssyncset.done @!p0 $0x0  }
0x102: {  	[sflag:s0] =	ssyncadd.s32 @!p0 s1  }
0x103: {  	[bflag:$0x3] =	sbarrier.arrive $0xFFFF  }
0x104: {  	_ =	shalt  }

</sc_bundles>
